<compile_context>
chip_gen: v7x
topology: tpu7x:2x2x1
jax: 0.10.2.dev20260603
libtpu: 0.0.44.dev20260713+nightly
codegen_flags: <defaults>
</compile_context>

<pallas_src>
import functools

import jax
import jax.numpy as jnp
from jax import lax
from jax.experimental import pallas as pl
from jax.experimental.pallas import tpu as pltpu
from jax.experimental.pallas import tpu_sc as plsc

E = 8
TOPK = 2
BLOCK = 512
L = 16


def _scores_kernel(x_ref, w_ref, sout_ref):
    x = x_ref[...]
    w = w_ref[...]
    scores_t = jax.lax.dot_general(
        w, x, (((1,), (1,)), ((), ())),
        preferred_element_type=jnp.float32)
    sout_ref[...] = jnp.sqrt(jax.nn.softplus(scores_t))


def _scores_tc(x, W, start, tc):
    T, D = x.shape
    nb = tc // BLOCK
    sb = start // BLOCK
    return pl.pallas_call(
        _scores_kernel,
        grid=(nb,),
        in_specs=[
            pl.BlockSpec((BLOCK, D), lambda i: (sb + i, 0)),
            pl.BlockSpec((E, D), lambda i: (0, 0)),
        ],
        out_specs=pl.BlockSpec((E, BLOCK), lambda i: (0, i)),
        out_shape=jax.ShapeDtypeStruct((E, tc), jnp.float32),
    )(x, W)


def _route_body(scores_hbm, b_hbm, wout_hbm, iout_hbm, sv, bv, wv, iv):
    T = scores_hbm.shape[1]
    nw = 32
    tpw = T // nw
    wid = lax.axis_index("s") * 2 + lax.axis_index("c")
    base = wid * tpw

    pltpu.sync_copy(scores_hbm.at[:, pl.ds(base, tpw)], sv)
    pltpu.sync_copy(b_hbm, bv)

    neg = jnp.full((L,), -jnp.inf, jnp.float32)
    zero = jnp.full((L,), 0.0, jnp.float32)
    brow = [bv[e, pl.ds(0, L)] for e in range(E)]

    def chunk(j):
        s = [sv[e, pl.ds(j * L, L)] for e in range(E)]
        be = [s[e] + brow[e] for e in range(E)]

        m1 = be[0]
        for e in range(1, E):
            m1 = jnp.maximum(m1, be[e])
        eq1 = [be[e] == m1 for e in range(E)]
        i1 = jnp.full((L,), E, jnp.int32)
        w1 = zero
        for e in range(E - 1, -1, -1):
            i1 = jnp.where(eq1[e], jnp.full((L,), e, jnp.int32), i1)
            w1 = jnp.where(eq1[e], s[e], w1)

        bm = [jnp.where(i1 == e, neg, be[e]) for e in range(E)]
        m2 = bm[0]
        for e in range(1, E):
            m2 = jnp.maximum(m2, bm[e])
        eq2 = [bm[e] == m2 for e in range(E)]
        i2 = jnp.full((L,), E, jnp.int32)
        w2 = zero
        for e in range(E - 1, -1, -1):
            i2 = jnp.where(eq2[e], jnp.full((L,), e, jnp.int32), i2)
            w2 = jnp.where(eq2[e], s[e], w2)
        inv = 1.0 / (w1 + w2)

        off = (j // 8) * (2 * 128) + (j % 8) * L
        wv[pl.ds(off, L)] = w1 * inv
        wv[pl.ds(off + 128, L)] = w2 * inv
        iv[pl.ds(off, L)] = i1
        iv[pl.ds(off + 128, L)] = i2
        return 0

    lax.fori_loop(0, tpw // L, lambda j, c: chunk(j), 0, unroll=4)

    pltpu.sync_copy(wv, wout_hbm.at[pl.ds(2 * base, 2 * tpw)])
    pltpu.sync_copy(iv, iout_hbm.at[pl.ds(2 * base, 2 * tpw)])


def _route_sc(scores_t, b_exp):
    T = scores_t.shape[1]
    tpw = T // 32
    mesh = plsc.VectorSubcoreMesh(core_axis_name="c", subcore_axis_name="s")
    fn = functools.partial(
        pl.kernel,
        mesh=mesh,
        out_type=[
            jax.ShapeDtypeStruct((2 * T,), jnp.float32),
            jax.ShapeDtypeStruct((2 * T,), jnp.int32),
        ],
        scratch_types=[
            pltpu.VMEM((E, tpw), jnp.float32),
            pltpu.VMEM((E, L), jnp.float32),
            pltpu.VMEM((2 * tpw,), jnp.float32),
            pltpu.VMEM((2 * tpw,), jnp.int32),
        ],
    )(_route_body)
    return fn(scores_t, b_exp)


def kernel(x, W, b):
    T = x.shape[0]
    b_exp = jnp.broadcast_to(b[:, None], (E, L))
    scores_t = _scores_tc(x, W, 0, T)
    wflat, iflat = _route_sc(scores_t, b_exp)
    weights = wflat.reshape(T // 128, TOPK, 128).transpose(0, 2, 1).reshape(T, TOPK)
    indices = iflat.reshape(T // 128, TOPK, 128).transpose(0, 2, 1).reshape(T, TOPK)
    return (weights, indices)

# --- scband reference (transcript-rebuilt; emitter-appended) ---
"""Pipeline reference for scband-gate-7378753814906 (READ-ONLY COPY).

The authoritative reference and input builder live on the scoring server;
editing this copy changes nothing except your own understanding.
"""

import jax, jax.numpy as jnp
import numpy as np

TOPK = 2
ROUTE_SCALE = 1.0

def setup_inputs(seed: int = 0) -> dict:
    key = jax.random.key(seed)
    k1, k2, k3 = jax.random.split(key, 3)
    x = jax.random.normal(k1, (16384, 4096), dtype=jnp.float32)
    W = jax.random.normal(k2, (8, 4096), dtype=jnp.float32) * 0.02
    b = jax.random.normal(k3, (8,), dtype=jnp.float32) * 0.01
    return {"x": x, "W": W, "b": b}

def reference(x, W, b):
    # scores = linear(x.float(), weight.float())
    scores = jnp.dot(x.astype(jnp.float32), W.astype(jnp.float32).T)
    # score_func == 'sqrtsoftplus'
    scores = jnp.sqrt(jax.nn.softplus(scores))
    original_scores = scores
    # bias is added only for expert selection, not for the returned weights
    biased = scores + b
    # non-hash routing: top-k over biased scores
    _, indices = jax.lax.top_k(biased, TOPK)
    weights = jnp.take_along_axis(original_scores, indices, axis=-1)
    # score_func != 'softmax' -> normalize
    weights = weights / jnp.sum(weights, axis=-1, keepdims=True)
    weights = weights * ROUTE_SCALE
    return (weights, indices)

if __name__ == "__main__":
    import jax
    _d = setup_inputs()
    print(jax.jit(kernel)(*tuple(_d.values())))

</pallas_src>

<mosaic_0001>
#map = affine_map<(d0, d1) -> (0, 0)>
#map1 = affine_map<(d0, d1) -> (0)>
module attributes {stable_mosaic.version = 14 : i64} {
  func.func @_route_body(%arg0: i32, %arg1: i32, %arg2: memref<8x16384xf32, #tpu.memory_space<hbm>>, %arg3: memref<8x16xf32, #tpu.memory_space<hbm>>, %arg4: memref<32768xf32, #tpu.memory_space<hbm>>, %arg5: memref<32768xi32, #tpu.memory_space<hbm>>, %arg6: memref<8x512xf32, #tpu.memory_space<vmem>>, %arg7: memref<8x16xf32, #tpu.memory_space<vmem>>, %arg8: memref<1024xf32, #tpu.memory_space<vmem>>, %arg9: memref<1024xi32, #tpu.memory_space<vmem>>) attributes {dimension_semantics = [#tpu.dimension_semantics<core_parallel>, #tpu.dimension_semantics<subcore_parallel>], iteration_bounds = array<i64: 2, 16>, scalar_prefetch = 0 : i64, scratch_operands = 4 : i64, tpu.core_type = #tpu.core_type<sc_vector_subcore>, window_params = [{transform_indices = #map}, {transform_indices = #map}, {transform_indices = #map1}, {transform_indices = #map1}]} {
    %mul3A = arith.constant 2 : i32
    %mul3A_0 = arith.muli %arg1, %mul3A : i32
    %add3A = arith.addi %mul3A_0, %arg0 : i32
    %mul3A_1 = arith.constant 512 : i32
    %mul3A_2 = arith.muli %add3A, %mul3A_1 : i32
    "tpu.region"() ({
      %run_scoped3A = tpu.sem_alloc : memref<!tpu.dma_semaphore, #tpu.memory_space<semaphore_mem>>
      %dma_start3A = arith.constant 0 : i32
      %dma_start3A_55 = tpu.memref_slice %arg2[%dma_start3A, %mul3A_2] : memref<8x16384xf32, #tpu.memory_space<hbm>> -> memref<8x512xf32, #tpu.memory_space<hbm>>
      %dma_start3A_56 = arith.constant 0 : i32
      %dma_start3A_57 = tpu.memref_slice %arg2[%dma_start3A_56, %mul3A_2] : memref<8x16384xf32, #tpu.memory_space<hbm>> -> memref<8x512xf32, #tpu.memory_space<hbm>>
      tpu.enqueue_dma source(%dma_start3A_57 : memref<8x512xf32, #tpu.memory_space<hbm>>) target(%arg6 : memref<8x512xf32, #tpu.memory_space<vmem>>) target_semaphore(%run_scoped3A : memref<!tpu.dma_semaphore, #tpu.memory_space<semaphore_mem>>)
      %dma_wait3A = arith.constant 0 : i32
      %dma_wait3A_58 = tpu.memref_slice %arg2[%dma_wait3A, %mul3A_2] : memref<8x16384xf32, #tpu.memory_space<hbm>> -> memref<8x512xf32, #tpu.memory_space<hbm>>
      %dma_wait3A_59 = arith.constant 0 : i32
      %dma_wait3A_60 = tpu.memref_slice %arg2[%dma_wait3A_59, %mul3A_2] : memref<8x16384xf32, #tpu.memory_space<hbm>> -> memref<8x512xf32, #tpu.memory_space<hbm>>
      tpu.wait_dma2 semaphore(%run_scoped3A : memref<!tpu.dma_semaphore, #tpu.memory_space<semaphore_mem>>) src(%dma_wait3A_60 : memref<8x512xf32, #tpu.memory_space<hbm>>) dst(%arg6 : memref<8x512xf32, #tpu.memory_space<vmem>>)
      tpu.yield
    }) : () -> ()
    "tpu.region"() ({
      %run_scoped3A = tpu.sem_alloc : memref<!tpu.dma_semaphore, #tpu.memory_space<semaphore_mem>>
      tpu.enqueue_dma source(%arg3 : memref<8x16xf32, #tpu.memory_space<hbm>>) target(%arg7 : memref<8x16xf32, #tpu.memory_space<vmem>>) target_semaphore(%run_scoped3A : memref<!tpu.dma_semaphore, #tpu.memory_space<semaphore_mem>>)
      tpu.wait_dma2 semaphore(%run_scoped3A : memref<!tpu.dma_semaphore, #tpu.memory_space<semaphore_mem>>) src(%arg3 : memref<8x16xf32, #tpu.memory_space<hbm>>) dst(%arg7 : memref<8x16xf32, #tpu.memory_space<vmem>>)
      tpu.yield
    }) : () -> ()
    %broadcast_in_dim3A = arith.constant 0xFF800000 : f32
    %broadcast_in_dim3A_3 = vector.broadcast %broadcast_in_dim3A : f32 to vector<16xf32>
    %broadcast_in_dim3A_4 = arith.constant 0.000000e+00 : f32
    %broadcast_in_dim3A_5 = vector.broadcast %broadcast_in_dim3A_4 : f32 to vector<16xf32>
    %get3A = arith.constant 0 : i32
    %get3A_6 = arith.index_cast %get3A : i32 to index
    %get3A_7 = arith.constant 0 : index
    %get3A_8 = tpu.vector_load %arg7[%get3A_6, %get3A_7] {strides = array<i32>} : memref<8x16xf32, #tpu.memory_space<vmem>>, vector<1x16xf32>,
    %get3A_9 = vector.shape_cast %get3A_8 : vector<1x16xf32> to vector<16xf32>
    %get3A_10 = arith.constant 1 : i32
    %get3A_11 = arith.index_cast %get3A_10 : i32 to index
    %get3A_12 = arith.constant 0 : index
    %get3A_13 = tpu.vector_load %arg7[%get3A_11, %get3A_12] {strides = array<i32>} : memref<8x16xf32, #tpu.memory_space<vmem>>, vector<1x16xf32>,
    %get3A_14 = vector.shape_cast %get3A_13 : vector<1x16xf32> to vector<16xf32>
    %get3A_15 = arith.constant 2 : i32
    %get3A_16 = arith.index_cast %get3A_15 : i32 to index
    %get3A_17 = arith.constant 0 : index
    %get3A_18 = tpu.vector_load %arg7[%get3A_16, %get3A_17] {strides = array<i32>} : memref<8x16xf32, #tpu.memory_space<vmem>>, vector<1x16xf32>,
    %get3A_19 = vector.shape_cast %get3A_18 : vector<1x16xf32> to vector<16xf32>
    %get3A_20 = arith.constant 3 : i32
    %get3A_21 = arith.index_cast %get3A_20 : i32 to index
    %get3A_22 = arith.constant 0 : index
    %get3A_23 = tpu.vector_load %arg7[%get3A_21, %get3A_22] {strides = array<i32>} : memref<8x16xf32, #tpu.memory_space<vmem>>, vector<1x16xf32>,
    %get3A_24 = vector.shape_cast %get3A_23 : vector<1x16xf32> to vector<16xf32>
    %get3A_25 = arith.constant 4 : i32
    %get3A_26 = arith.index_cast %get3A_25 : i32 to index
    %get3A_27 = arith.constant 0 : index
    %get3A_28 = tpu.vector_load %arg7[%get3A_26, %get3A_27] {strides = array<i32>} : memref<8x16xf32, #tpu.memory_space<vmem>>, vector<1x16xf32>,
    %get3A_29 = vector.shape_cast %get3A_28 : vector<1x16xf32> to vector<16xf32>
    %get3A_30 = arith.constant 5 : i32
    %get3A_31 = arith.index_cast %get3A_30 : i32 to index
    %get3A_32 = arith.constant 0 : index
    %get3A_33 = tpu.vector_load %arg7[%get3A_31, %get3A_32] {strides = array<i32>} : memref<8x16xf32, #tpu.memory_space<vmem>>, vector<1x16xf32>,
    %get3A_34 = vector.shape_cast %get3A_33 : vector<1x16xf32> to vector<16xf32>
    %get3A_35 = arith.constant 6 : i32
    %get3A_36 = arith.index_cast %get3A_35 : i32 to index
    %get3A_37 = arith.constant 0 : index
    %get3A_38 = tpu.vector_load %arg7[%get3A_36, %get3A_37] {strides = array<i32>} : memref<8x16xf32, #tpu.memory_space<vmem>>, vector<1x16xf32>,
    %get3A_39 = vector.shape_cast %get3A_38 : vector<1x16xf32> to vector<16xf32>
    %get3A_40 = arith.constant 7 : i32
    %get3A_41 = arith.index_cast %get3A_40 : i32 to index
    %get3A_42 = arith.constant 0 : index
    %get3A_43 = tpu.vector_load %arg7[%get3A_41, %get3A_42] {strides = array<i32>} : memref<8x16xf32, #tpu.memory_space<vmem>>, vector<1x16xf32>,
    %get3A_44 = vector.shape_cast %get3A_43 : vector<1x16xf32> to vector<16xf32>
    %scan3A = arith.constant 0 : i32
    %scan3A_45 = arith.constant 0 : i32
    %scan3A_46 = arith.constant 32 : i32
    %scan3A_47 = arith.addi %scan3A_45, %scan3A_46 : i32
    %scan3A_48 = arith.constant 4 : i32
    %scan3A_49 = scf.for %scan3A_55 = %scan3A_45 to %scan3A_47 step %scan3A_48 iter_args(%scan3A_56 = %scan3A) -> (i32)  : i32 {
      %mul3A_57 = arith.constant 16 : i32
      %mul3A_58 = arith.muli %scan3A_55, %mul3A_57 : i32
      %get3A_59 = arith.constant 0 : i32
      %get3A_60 = arith.index_cast %get3A_59 : i32 to index
      %get3A_61 = arith.index_cast %mul3A_58 : i32 to index
      %get3A_62 = tpu.vector_load %arg6[%get3A_60, %get3A_61] {strides = array<i32>} : memref<8x512xf32, #tpu.memory_space<vmem>>, vector<1x16xf32>,
      %get3A_63 = vector.shape_cast %get3A_62 : vector<1x16xf32> to vector<16xf32>
      %mul3A_64 = arith.constant 16 : i32
      %mul3A_65 = arith.muli %scan3A_55, %mul3A_64 : i32
      %get3A_66 = arith.constant 1 : i32
      %get3A_67 = arith.index_cast %get3A_66 : i32 to index
      %get3A_68 = arith.index_cast %mul3A_65 : i32 to index
      %get3A_69 = tpu.vector_load %arg6[%get3A_67, %get3A_68] {strides = array<i32>} : memref<8x512xf32, #tpu.memory_space<vmem>>, vector<1x16xf32>,
      %get3A_70 = vector.shape_cast %get3A_69 : vector<1x16xf32> to vector<16xf32>
      %mul3A_71 = arith.constant 16 : i32
      %mul3A_72 = arith.muli %scan3A_55, %mul3A_71 : i32
      %get3A_73 = arith.constant 2 : i32
      %get3A_74 = arith.index_cast %get3A_73 : i32 to index
      %get3A_75 = arith.index_cast %mul3A_72 : i32 to index
      %get3A_76 = tpu.vector_load %arg6[%get3A_74, %get3A_75] {strides = array<i32>} : memref<8x512xf32, #tpu.memory_space<vmem>>, vector<1x16xf32>,
      %get3A_77 = vector.shape_cast %get3A_76 : vector<1x16xf32> to vector<16xf32>
      %mul3A_78 = arith.constant 16 : i32
      %mul3A_79 = arith.muli %scan3A_55, %mul3A_78 : i32
      %get3A_80 = arith.constant 3 : i32
      %get3A_81 = arith.index_cast %get3A_80 : i32 to index
      %get3A_82 = arith.index_cast %mul3A_79 : i32 to index
      %get3A_83 = tpu.vector_load %arg6[%get3A_81, %get3A_82] {strides = array<i32>} : memref<8x512xf32, #tpu.memory_space<vmem>>, vector<1x16xf32>,
      %get3A_84 = vector.shape_cast %get3A_83 : vector<1x16xf32> to vector<16xf32>
      %mul3A_85 = arith.constant 16 : i32
      %mul3A_86 = arith.muli %scan3A_55, %mul3A_85 : i32
      %get3A_87 = arith.constant 4 : i32
      %get3A_88 = arith.index_cast %get3A_87 : i32 to index
      %get3A_89 = arith.index_cast %mul3A_86 : i32 to index
      %get3A_90 = tpu.vector_load %arg6[%get3A_88, %get3A_89] {strides = array<i32>} : memref<8x512xf32, #tpu.memory_space<vmem>>, vector<1x16xf32>,
      %get3A_91 = vector.shape_cast %get3A_90 : vector<1x16xf32> to vector<16xf32>
      %mul3A_92 = arith.constant 16 : i32
      %mul3A_93 = arith.muli %scan3A_55, %mul3A_92 : i32
      %get3A_94 = arith.constant 5 : i32
      %get3A_95 = arith.index_cast %get3A_94 : i32 to index
      %get3A_96 = arith.index_cast %mul3A_93 : i32 to index
      %get3A_97 = tpu.vector_load %arg6[%get3A_95, %get3A_96] {strides = array<i32>} : memref<8x512xf32, #tpu.memory_space<vmem>>, vector<1x16xf32>,
      %get3A_98 = vector.shape_cast %get3A_97 : vector<1x16xf32> to vector<16xf32>
      %mul3A_99 = arith.constant 16 : i32
      %mul3A_100 = arith.muli %scan3A_55, %mul3A_99 : i32
      %get3A_101 = arith.constant 6 : i32
      %get3A_102 = arith.index_cast %get3A_101 : i32 to index
      %get3A_103 = arith.index_cast %mul3A_100 : i32 to index
      %get3A_104 = tpu.vector_load %arg6[%get3A_102, %get3A_103] {strides = array<i32>} : memref<8x512xf32, #tpu.memory_space<vmem>>, vector<1x16xf32>,
      %get3A_105 = vector.shape_cast %get3A_104 : vector<1x16xf32> to vector<16xf32>
      %mul3A_106 = arith.constant 16 : i32
      %mul3A_107 = arith.muli %scan3A_55, %mul3A_106 : i32
      %get3A_108 = arith.constant 7 : i32
      %get3A_109 = arith.index_cast %get3A_108 : i32 to index
      %get3A_110 = arith.index_cast %mul3A_107 : i32 to index
      %get3A_111 = tpu.vector_load %arg6[%get3A_109, %get3A_110] {strides = array<i32>} : memref<8x512xf32, #tpu.memory_space<vmem>>, vector<1x16xf32>,
      %get3A_112 = vector.shape_cast %get3A_111 : vector<1x16xf32> to vector<16xf32>
      %add3A_113 = arith.addf %get3A_63, %get3A_9 : vector<16xf32>
      %add3A_114 = arith.addf %get3A_70, %get3A_14 : vector<16xf32>
      %add3A_115 = arith.addf %get3A_77, %get3A_19 : vector<16xf32>
      %add3A_116 = arith.addf %get3A_84, %get3A_24 : vector<16xf32>
      %add3A_117 = arith.addf %get3A_91, %get3A_29 : vector<16xf32>
      %add3A_118 = arith.addf %get3A_98, %get3A_34 : vector<16xf32>
      %add3A_119 = arith.addf %get3A_105, %get3A_39 : vector<16xf32>
      %add3A_120 = arith.addf %get3A_112, %get3A_44 : vector<16xf32>
      %max3A = arith.maximumf %add3A_113, %add3A_114 : vector<16xf32>
      %max3A_121 = arith.maximumf %max3A, %add3A_115 : vector<16xf32>
      %max3A_122 = arith.maximumf %max3A_121, %add3A_116 : vector<16xf32>
      %max3A_123 = arith.maximumf %max3A_122, %add3A_117 : vector<16xf32>
      %max3A_124 = arith.maximumf %max3A_123, %add3A_118 : vector<16xf32>
      %max3A_125 = arith.maximumf %max3A_124, %add3A_119 : vector<16xf32>
      %max3A_126 = arith.maximumf %max3A_125, %add3A_120 : vector<16xf32>
      %eq3A = arith.cmpf oeq, %add3A_113, %max3A_126 : vector<16xf32>
      %eq3A_127 = arith.cmpf oeq, %add3A_114, %max3A_126 : vector<16xf32>
      %eq3A_128 = arith.cmpf oeq, %add3A_115, %max3A_126 : vector<16xf32>
      %eq3A_129 = arith.cmpf oeq, %add3A_116, %max3A_126 : vector<16xf32>
      %eq3A_130 = arith.cmpf oeq, %add3A_117, %max3A_126 : vector<16xf32>
      %eq3A_131 = arith.cmpf oeq, %add3A_118, %max3A_126 : vector<16xf32>
      %eq3A_132 = arith.cmpf oeq, %add3A_119, %max3A_126 : vector<16xf32>
      %eq3A_133 = arith.cmpf oeq, %add3A_120, %max3A_126 : vector<16xf32>
      %broadcast_in_dim3A_134 = arith.constant 8 : i32
      %broadcast_in_dim3A_135 = vector.broadcast %broadcast_in_dim3A_134 : i32 to vector<16xi32>
      %broadcast_in_dim3A_136 = arith.constant 7 : i32
      %broadcast_in_dim3A_137 = vector.broadcast %broadcast_in_dim3A_136 : i32 to vector<16xi32>
      %select_n3A = arith.select %eq3A_133, %broadcast_in_dim3A_137, %broadcast_in_dim3A_135 : vector<16xi1>, vector<16xi32>
      %select_n3A_138 = arith.select %eq3A_133, %get3A_112, %broadcast_in_dim3A_5 : vector<16xi1>, vector<16xf32>
      %broadcast_in_dim3A_139 = arith.constant 6 : i32
      %broadcast_in_dim3A_140 = vector.broadcast %broadcast_in_dim3A_139 : i32 to vector<16xi32>
      %select_n3A_141 = arith.select %eq3A_132, %broadcast_in_dim3A_140, %select_n3A : vector<16xi1>, vector<16xi32>
      %select_n3A_142 = arith.select %eq3A_132, %get3A_105, %select_n3A_138 : vector<16xi1>, vector<16xf32>
      %broadcast_in_dim3A_143 = arith.constant 5 : i32
      %broadcast_in_dim3A_144 = vector.broadcast %broadcast_in_dim3A_143 : i32 to vector<16xi32>
      %select_n3A_145 = arith.select %eq3A_131, %broadcast_in_dim3A_144, %select_n3A_141 : vector<16xi1>, vector<16xi32>
      %select_n3A_146 = arith.select %eq3A_131, %get3A_98, %select_n3A_142 : vector<16xi1>, vector<16xf32>
      %broadcast_in_dim3A_147 = arith.constant 4 : i32
      %broadcast_in_dim3A_148 = vector.broadcast %broadcast_in_dim3A_147 : i32 to vector<16xi32>
      %select_n3A_149 = arith.select %eq3A_130, %broadcast_in_dim3A_148, %select_n3A_145 : vector<16xi1>, vector<16xi32>
      %select_n3A_150 = arith.select %eq3A_130, %get3A_91, %select_n3A_146 : vector<16xi1>, vector<16xf32>
      %broadcast_in_dim3A_151 = arith.constant 3 : i32
      %broadcast_in_dim3A_152 = vector.broadcast %broadcast_in_dim3A_151 : i32 to vector<16xi32>
      %select_n3A_153 = arith.select %eq3A_129, %broadcast_in_dim3A_152, %select_n3A_149 : vector<16xi1>, vector<16xi32>
      %select_n3A_154 = arith.select %eq3A_129, %get3A_84, %select_n3A_150 : vector<16xi1>, vector<16xf32>
      %broadcast_in_dim3A_155 = arith.constant 2 : i32
      %broadcast_in_dim3A_156 = vector.broadcast %broadcast_in_dim3A_155 : i32 to vector<16xi32>
      %select_n3A_157 = arith.select %eq3A_128, %broadcast_in_dim3A_156, %select_n3A_153 : vector<16xi1>, vector<16xi32>
      %select_n3A_158 = arith.select %eq3A_128, %get3A_77, %select_n3A_154 : vector<16xi1>, vector<16xf32>
      %broadcast_in_dim3A_159 = arith.constant 1 : i32
      %broadcast_in_dim3A_160 = vector.broadcast %broadcast_in_dim3A_159 : i32 to vector<16xi32>
      %select_n3A_161 = arith.select %eq3A_127, %broadcast_in_dim3A_160, %select_n3A_157 : vector<16xi1>, vector<16xi32>
      %select_n3A_162 = arith.select %eq3A_127, %get3A_70, %select_n3A_158 : vector<16xi1>, vector<16xf32>
      %broadcast_in_dim3A_163 = arith.constant 0 : i32
      %broadcast_in_dim3A_164 = vector.broadcast %broadcast_in_dim3A_163 : i32 to vector<16xi32>
      %select_n3A_165 = arith.select %eq3A, %broadcast_in_dim3A_164, %select_n3A_161 : vector<16xi1>, vector<16xi32>
      %select_n3A_166 = arith.select %eq3A, %get3A_63, %select_n3A_162 : vector<16xi1>, vector<16xf32>
      %eq3A_167 = arith.constant 0 : i32
      %eq3A_168 = vector.broadcast %eq3A_167 : i32 to vector<16xi32>
      %eq3A_169 = arith.cmpi eq, %select_n3A_165, %eq3A_168 : vector<16xi32>
      %select_n3A_170 = arith.select %eq3A_169, %broadcast_in_dim3A_3, %add3A_113 : vector<16xi1>, vector<16xf32>
      %eq3A_171 = arith.constant 1 : i32
      %eq3A_172 = vector.broadcast %eq3A_171 : i32 to vector<16xi32>
      %eq3A_173 = arith.cmpi eq, %select_n3A_165, %eq3A_172 : vector<16xi32>
      %select_n3A_174 = arith.select %eq3A_173, %broadcast_in_dim3A_3, %add3A_114 : vector<16xi1>, vector<16xf32>
      %eq3A_175 = arith.constant 2 : i32
      %eq3A_176 = vector.broadcast %eq3A_175 : i32 to vector<16xi32>
      %eq3A_177 = arith.cmpi eq, %select_n3A_165, %eq3A_176 : vector<16xi32>
      %select_n3A_178 = arith.select %eq3A_177, %broadcast_in_dim3A_3, %add3A_115 : vector<16xi1>, vector<16xf32>
      %eq3A_179 = arith.constant 3 : i32
      %eq3A_180 = vector.broadcast %eq3A_179 : i32 to vector<16xi32>
      %eq3A_181 = arith.cmpi eq, %select_n3A_165, %eq3A_180 : vector<16xi32>
      %select_n3A_182 = arith.select %eq3A_181, %broadcast_in_dim3A_3, %add3A_116 : vector<16xi1>, vector<16xf32>
      %eq3A_183 = arith.constant 4 : i32
      %eq3A_184 = vector.broadcast %eq3A_183 : i32 to vector<16xi32>
      %eq3A_185 = arith.cmpi eq, %select_n3A_165, %eq3A_184 : vector<16xi32>
      %select_n3A_186 = arith.select %eq3A_185, %broadcast_in_dim3A_3, %add3A_117 : vector<16xi1>, vector<16xf32>
      %eq3A_187 = arith.constant 5 : i32
      %eq3A_188 = vector.broadcast %eq3A_187 : i32 to vector<16xi32>
      %eq3A_189 = arith.cmpi eq, %select_n3A_165, %eq3A_188 : vector<16xi32>
      %select_n3A_190 = arith.select %eq3A_189, %broadcast_in_dim3A_3, %add3A_118 : vector<16xi1>, vector<16xf32>
      %eq3A_191 = arith.constant 6 : i32
      %eq3A_192 = vector.broadcast %eq3A_191 : i32 to vector<16xi32>
      %eq3A_193 = arith.cmpi eq, %select_n3A_165, %eq3A_192 : vector<16xi32>
      %select_n3A_194 = arith.select %eq3A_193, %broadcast_in_dim3A_3, %add3A_119 : vector<16xi1>, vector<16xf32>
      %eq3A_195 = arith.constant 7 : i32
      %eq3A_196 = vector.broadcast %eq3A_195 : i32 to vector<16xi32>
      %eq3A_197 = arith.cmpi eq, %select_n3A_165, %eq3A_196 : vector<16xi32>
      %select_n3A_198 = arith.select %eq3A_197, %broadcast_in_dim3A_3, %add3A_120 : vector<16xi1>, vector<16xf32>
      %max3A_199 = arith.maximumf %select_n3A_170, %select_n3A_174 : vector<16xf32>
      %max3A_200 = arith.maximumf %max3A_199, %select_n3A_178 : vector<16xf32>
      %max3A_201 = arith.maximumf %max3A_200, %select_n3A_182 : vector<16xf32>
      %max3A_202 = arith.maximumf %max3A_201, %select_n3A_186 : vector<16xf32>
      %max3A_203 = arith.maximumf %max3A_202, %select_n3A_190 : vector<16xf32>
      %max3A_204 = arith.maximumf %max3A_203, %select_n3A_194 : vector<16xf32>
      %max3A_205 = arith.maximumf %max3A_204, %select_n3A_198 : vector<16xf32>
      %eq3A_206 = arith.cmpf oeq, %select_n3A_170, %max3A_205 : vector<16xf32>
      %eq3A_207 = arith.cmpf oeq, %select_n3A_174, %max3A_205 : vector<16xf32>
      %eq3A_208 = arith.cmpf oeq, %select_n3A_178, %max3A_205 : vector<16xf32>
      %eq3A_209 = arith.cmpf oeq, %select_n3A_182, %max3A_205 : vector<16xf32>
      %eq3A_210 = arith.cmpf oeq, %select_n3A_186, %max3A_205 : vector<16xf32>
      %eq3A_211 = arith.cmpf oeq, %select_n3A_190, %max3A_205 : vector<16xf32>
      %eq3A_212 = arith.cmpf oeq, %select_n3A_194, %max3A_205 : vector<16xf32>
      %eq3A_213 = arith.cmpf oeq, %select_n3A_198, %max3A_205 : vector<16xf32>
      %broadcast_in_dim3A_214 = arith.constant 8 : i32
      %broadcast_in_dim3A_215 = vector.broadcast %broadcast_in_dim3A_214 : i32 to vector<16xi32>
      %broadcast_in_dim3A_216 = arith.constant 7 : i32
      %broadcast_in_dim3A_217 = vector.broadcast %broadcast_in_dim3A_216 : i32 to vector<16xi32>
      %select_n3A_218 = arith.select %eq3A_213, %broadcast_in_dim3A_217, %broadcast_in_dim3A_215 : vector<16xi1>, vector<16xi32>
      %select_n3A_219 = arith.select %eq3A_213, %get3A_112, %broadcast_in_dim3A_5 : vector<16xi1>, vector<16xf32>
      %broadcast_in_dim3A_220 = arith.constant 6 : i32
      %broadcast_in_dim3A_221 = vector.broadcast %broadcast_in_dim3A_220 : i32 to vector<16xi32>
      %select_n3A_222 = arith.select %eq3A_212, %broadcast_in_dim3A_221, %select_n3A_218 : vector<16xi1>, vector<16xi32>
      %select_n3A_223 = arith.select %eq3A_212, %get3A_105, %select_n3A_219 : vector<16xi1>, vector<16xf32>
      %broadcast_in_dim3A_224 = arith.constant 5 : i32
      %broadcast_in_dim3A_225 = vector.broadcast %broadcast_in_dim3A_224 : i32 to vector<16xi32>
      %select_n3A_226 = arith.select %eq3A_211, %broadcast_in_dim3A_225, %select_n3A_222 : vector<16xi1>, vector<16xi32>
      %select_n3A_227 = arith.select %eq3A_211, %get3A_98, %select_n3A_223 : vector<16xi1>, vector<16xf32>
      %broadcast_in_dim3A_228 = arith.constant 4 : i32
      %broadcast_in_dim3A_229 = vector.broadcast %broadcast_in_dim3A_228 : i32 to vector<16xi32>
      %select_n3A_230 = arith.select %eq3A_210, %broadcast_in_dim3A_229, %select_n3A_226 : vector<16xi1>, vector<16xi32>
      %select_n3A_231 = arith.select %eq3A_210, %get3A_91, %select_n3A_227 : vector<16xi1>, vector<16xf32>
      %broadcast_in_dim3A_232 = arith.constant 3 : i32
      %broadcast_in_dim3A_233 = vector.broadcast %broadcast_in_dim3A_232 : i32 to vector<16xi32>
      %select_n3A_234 = arith.select %eq3A_209, %broadcast_in_dim3A_233, %select_n3A_230 : vector<16xi1>, vector<16xi32>
      %select_n3A_235 = arith.select %eq3A_209, %get3A_84, %select_n3A_231 : vector<16xi1>, vector<16xf32>
      %broadcast_in_dim3A_236 = arith.constant 2 : i32
      %broadcast_in_dim3A_237 = vector.broadcast %broadcast_in_dim3A_236 : i32 to vector<16xi32>
      %select_n3A_238 = arith.select %eq3A_208, %broadcast_in_dim3A_237, %select_n3A_234 : vector<16xi1>, vector<16xi32>
      %select_n3A_239 = arith.select %eq3A_208, %get3A_77, %select_n3A_235 : vector<16xi1>, vector<16xf32>
      %broadcast_in_dim3A_240 = arith.constant 1 : i32
      %broadcast_in_dim3A_241 = vector.broadcast %broadcast_in_dim3A_240 : i32 to vector<16xi32>
      %select_n3A_242 = arith.select %eq3A_207, %broadcast_in_dim3A_241, %select_n3A_238 : vector<16xi1>, vector<16xi32>
      %select_n3A_243 = arith.select %eq3A_207, %get3A_70, %select_n3A_239 : vector<16xi1>, vector<16xf32>
      %broadcast_in_dim3A_244 = arith.constant 0 : i32
      %broadcast_in_dim3A_245 = vector.broadcast %broadcast_in_dim3A_244 : i32 to vector<16xi32>
      %select_n3A_246 = arith.select %eq3A_206, %broadcast_in_dim3A_245, %select_n3A_242 : vector<16xi1>, vector<16xi32>
      %select_n3A_247 = arith.select %eq3A_206, %get3A_63, %select_n3A_243 : vector<16xi1>, vector<16xf32>
      %add3A_248 = arith.addf %select_n3A_166, %select_n3A_247 : vector<16xf32>
      %div3A = arith.constant 1.000000e+00 : f32
      %div3A_249 = vector.broadcast %div3A : f32 to vector<16xf32>
      %div3A_250 = arith.divf %div3A_249, %add3A_248 : vector<16xf32>
      %jit3A = arith.constant 8 : i32
      %div3A_251 = arith.divsi %scan3A_55, %jit3A : i32
      %sign3A = arith.constant 0 : i32
      %sign3A_252 = arith.cmpi sgt, %scan3A_55, %sign3A : i32
      %sign3A_253 = arith.extui %sign3A_252 : i1 to i32
      %sign3A_254 = arith.constant 0 : i32
      %sign3A_255 = arith.cmpi slt, %scan3A_55, %sign3A_254 : i32
      %sign3A_256 = arith.extui %sign3A_255 : i1 to i32
      %sign3A_257 = arith.subi %sign3A_253, %sign3A_256 : i32
      %sign3A_258 = arith.constant 0 : i32
      %sign3A_259 = arith.cmpi sgt, %jit3A, %sign3A_258 : i32
      %sign3A_260 = arith.extui %sign3A_259 : i1 to i32
      %sign3A_261 = arith.constant 0 : i32
      %sign3A_262 = arith.cmpi slt, %jit3A, %sign3A_261 : i32
      %sign3A_263 = arith.extui %sign3A_262 : i1 to i32
      %sign3A_264 = arith.subi %sign3A_260, %sign3A_263 : i32
      %ne3A = arith.cmpi ne, %sign3A_257, %sign3A_264 : i32
      %rem3A = arith.remsi %scan3A_55, %jit3A : i32
      %ne3A_265 = arith.constant 0 : i32
      %ne3A_266 = arith.cmpi ne, %rem3A, %ne3A_265 : i32
      %and3A = arith.andi %ne3A, %ne3A_266 : i1
      %sub3A = arith.constant 1 : i32
      %sub3A_267 = arith.subi %div3A_251, %sub3A : i32
      %select_n3A_268 = arith.select %and3A, %sub3A_267, %div3A_251 : i32
      %mul3A_269 = arith.constant 256 : i32
      %mul3A_270 = arith.muli %select_n3A_268, %mul3A_269 : i32
      %jit3A_271 = arith.constant 8 : i32
      %eq3A_272 = arith.constant 0 : i32
      %eq3A_273 = arith.cmpi eq, %jit3A_271, %eq3A_272 : i32
      %jit3A_274 = arith.constant 1 : i32
      %select_n3A_275 = arith.select %eq3A_273, %jit3A_274, %jit3A_271 : i32
      %rem3A_276 = arith.remsi %scan3A_55, %select_n3A_275 : i32
      %ne3A_277 = arith.constant 0 : i32
      %ne3A_278 = arith.cmpi ne, %rem3A_276, %ne3A_277 : i32
      %lt3A = arith.constant 0 : i32
      %lt3A_279 = arith.cmpi slt, %rem3A_276, %lt3A : i32
      %lt3A_280 = arith.constant 0 : i32
      %lt3A_281 = arith.cmpi slt, %select_n3A_275, %lt3A_280 : i32
      %ne3A_282 = arith.xori %lt3A_279, %lt3A_281 : i1
      %and3A_283 = arith.andi %ne3A_282, %ne3A_278 : i1
      %add3A_284 = arith.addi %rem3A_276, %select_n3A_275 : i32
      %select_n3A_285 = arith.select %and3A_283, %add3A_284, %rem3A_276 : i32
      %mul3A_286 = arith.constant 16 : i32
      %mul3A_287 = arith.muli %select_n3A_285, %mul3A_286 : i32
      %add3A_288 = arith.addi %mul3A_270, %mul3A_287 : i32
      %mul3A_289 = arith.mulf %select_n3A_166, %div3A_250 : vector<16xf32>
      %swap3A = arith.index_cast %add3A_288 : i32 to index
      %swap3A_290 = tpu.vector_load %arg8[%swap3A] {strides = array<i32>} : memref<1024xf32, #tpu.memory_space<vmem>>, vector<16xf32>,
      %swap3A_291 = vector.shape_cast %swap3A_290 : vector<16xf32> to vector<16xf32>
      %swap3A_292 = vector.shape_cast %mul3A_289 : vector<16xf32> to vector<16xf32>
      tpu.vector_store %arg8[%swap3A], %swap3A_292 {strides = array<i32>} : memref<1024xf32, #tpu.memory_space<vmem>>, vector<16xf32>,
      %mul3A_293 = arith.mulf %select_n3A_247, %div3A_250 : vector<16xf32>
      %add3A_294 = arith.constant 128 : i32
      %add3A_295 = arith.addi %add3A_288, %add3A_294 : i32
      %swap3A_296 = arith.index_cast %add3A_295 : i32 to index
      %swap3A_297 = tpu.vector_load %arg8[%swap3A_296] {strides = array<i32>} : memref<1024xf32, #tpu.memory_space<vmem>>, vector<16xf32>,
      %swap3A_298 = vector.shape_cast %swap3A_297 : vector<16xf32> to vector<16xf32>
      %swap3A_299 = vector.shape_cast %mul3A_293 : vector<16xf32> to vector<16xf32>
      tpu.vector_store %arg8[%swap3A_296], %swap3A_299 {strides = array<i32>} : memref<1024xf32, #tpu.memory_space<vmem>>, vector<16xf32>,
      %swap3A_300 = arith.index_cast %add3A_288 : i32 to index
      %swap3A_301 = tpu.vector_load %arg9[%swap3A_300] {strides = array<i32>} : memref<1024xi32, #tpu.memory_space<vmem>>, vector<16xi32>,
      %swap3A_302 = vector.shape_cast %swap3A_301 : vector<16xi32> to vector<16xi32>
      %swap3A_303 = vector.shape_cast %select_n3A_165 : vector<16xi32> to vector<16xi32>
      tpu.vector_store %arg9[%swap3A_300], %swap3A_303 {strides = array<i32>} : memref<1024xi32, #tpu.memory_space<vmem>>, vector<16xi32>,
      %add3A_304 = arith.constant 128 : i32
      %add3A_305 = arith.addi %add3A_288, %add3A_304 : i32
      %swap3A_306 = arith.index_cast %add3A_305 : i32 to index
      %swap3A_307 = tpu.vector_load %arg9[%swap3A_306] {strides = array<i32>} : memref<1024xi32, #tpu.memory_space<vmem>>, vector<16xi32>,
      %swap3A_308 = vector.shape_cast %swap3A_307 : vector<16xi32> to vector<16xi32>
      %swap3A_309 = vector.shape_cast %select_n3A_246 : vector<16xi32> to vector<16xi32>
      tpu.vector_store %arg9[%swap3A_306], %swap3A_309 {strides = array<i32>} : memref<1024xi32, #tpu.memory_space<vmem>>, vector<16xi32>,
      %scan3A_310 = arith.constant 0 : i32
      %scan3A_311 = arith.constant 1 : i32
      %scan3A_312 = arith.addi %scan3A_55, %scan3A_311 : i32
      %mul3A_313 = arith.constant 16 : i32
      %mul3A_314 = arith.muli %scan3A_312, %mul3A_313 : i32
      %get3A_315 = arith.constant 0 : i32
      %get3A_316 = arith.index_cast %get3A_315 : i32 to index
      %get3A_317 = arith.index_cast %mul3A_314 : i32 to index
      %get3A_318 = tpu.vector_load %arg6[%get3A_316, %get3A_317] {strides = array<i32>} : memref<8x512xf32, #tpu.memory_space<vmem>>, vector<1x16xf32>,
      %get3A_319 = vector.shape_cast %get3A_318 : vector<1x16xf32> to vector<16xf32>
      %mul3A_320 = arith.constant 16 : i32
      %mul3A_321 = arith.muli %scan3A_312, %mul3A_320 : i32
      %get3A_322 = arith.constant 1 : i32
      %get3A_323 = arith.index_cast %get3A_322 : i32 to index
      %get3A_324 = arith.index_cast %mul3A_321 : i32 to index
      %get3A_325 = tpu.vector_load %arg6[%get3A_323, %get3A_324] {strides = array<i32>} : memref<8x512xf32, #tpu.memory_space<vmem>>, vector<1x16xf32>,
      %get3A_326 = vector.shape_cast %get3A_325 : vector<1x16xf32> to vector<16xf32>
      %mul3A_327 = arith.constant 16 : i32
      %mul3A_328 = arith.muli %scan3A_312, %mul3A_327 : i32
      %get3A_329 = arith.constant 2 : i32
      %get3A_330 = arith.index_cast %get3A_329 : i32 to index
      %get3A_331 = arith.index_cast %mul3A_328 : i32 to index
      %get3A_332 = tpu.vector_load %arg6[%get3A_330, %get3A_331] {strides = array<i32>} : memref<8x512xf32, #tpu.memory_space<vmem>>, vector<1x16xf32>,
      %get3A_333 = vector.shape_cast %get3A_332 : vector<1x16xf32> to vector<16xf32>
      %mul3A_334 = arith.constant 16 : i32
      %mul3A_335 = arith.muli %scan3A_312, %mul3A_334 : i32
      %get3A_336 = arith.constant 3 : i32
      %get3A_337 = arith.index_cast %get3A_336 : i32 to index
      %get3A_338 = arith.index_cast %mul3A_335 : i32 to index
      %get3A_339 = tpu.vector_load %arg6[%get3A_337, %get3A_338] {strides = array<i32>} : memref<8x512xf32, #tpu.memory_space<vmem>>, vector<1x16xf32>,
      %get3A_340 = vector.shape_cast %get3A_339 : vector<1x16xf32> to vector<16xf32>
      %mul3A_341 = arith.constant 16 : i32
      %mul3A_342 = arith.muli %scan3A_312, %mul3A_341 : i32
      %get3A_343 = arith.constant 4 : i32
      %get3A_344 = arith.index_cast %get3A_343 : i32 to index
      %get3A_345 = arith.index_cast %mul3A_342 : i32 to index
      %get3A_346 = tpu.vector_load %arg6[%get3A_344, %get3A_345] {strides = array<i32>} : memref<8x512xf32, #tpu.memory_space<vmem>>, vector<1x16xf32>,
      %get3A_347 = vector.shape_cast %get3A_346 : vector<1x16xf32> to vector<16xf32>
      %mul3A_348 = arith.constant 16 : i32
      %mul3A_349 = arith.muli %scan3A_312, %mul3A_348 : i32
      %get3A_350 = arith.constant 5 : i32
      %get3A_351 = arith.index_cast %get3A_350 : i32 to index
      %get3A_352 = arith.index_cast %mul3A_349 : i32 to index
      %get3A_353 = tpu.vector_load %arg6[%get3A_351, %get3A_352] {strides = array<i32>} : memref<8x512xf32, #tpu.memory_space<vmem>>, vector<1x16xf32>,
      %get3A_354 = vector.shape_cast %get3A_353 : vector<1x16xf32> to vector<16xf32>
      %mul3A_355 = arith.constant 16 : i32
      %mul3A_356 = arith.muli %scan3A_312, %mul3A_355 : i32
      %get3A_357 = arith.constant 6 : i32
      %get3A_358 = arith.index_cast %get3A_357 : i32 to index
      %get3A_359 = arith.index_cast %mul3A_356 : i32 to index
      %get3A_360 = tpu.vector_load %arg6[%get3A_358, %get3A_359] {strides = array<i32>} : memref<8x512xf32, #tpu.memory_space<vmem>>, vector<1x16xf32>,
      %get3A_361 = vector.shape_cast %get3A_360 : vector<1x16xf32> to vector<16xf32>
      %mul3A_362 = arith.constant 16 : i32
      %mul3A_363 = arith.muli %scan3A_312, %mul3A_362 : i32
      %get3A_364 = arith.constant 7 : i32
      %get3A_365 = arith.index_cast %get3A_364 : i32 to index
      %get3A_366 = arith.index_cast %mul3A_363 : i32 to index
      %get3A_367 = tpu.vector_load %arg6[%get3A_365, %get3A_366] {strides = array<i32>} : memref<8x512xf32, #tpu.memory_space<vmem>>, vector<1x16xf32>,
      %get3A_368 = vector.shape_cast %get3A_367 : vector<1x16xf32> to vector<16xf32>
      %add3A_369 = arith.addf %get3A_319, %get3A_9 : vector<16xf32>
      %add3A_370 = arith.addf %get3A_326, %get3A_14 : vector<16xf32>
      %add3A_371 = arith.addf %get3A_333, %get3A_19 : vector<16xf32>
      %add3A_372 = arith.addf %get3A_340, %get3A_24 : vector<16xf32>
      %add3A_373 = arith.addf %get3A_347, %get3A_29 : vector<16xf32>
      %add3A_374 = arith.addf %get3A_354, %get3A_34 : vector<16xf32>
      %add3A_375 = arith.addf %get3A_361, %get3A_39 : vector<16xf32>
      %add3A_376 = arith.addf %get3A_368, %get3A_44 : vector<16xf32>
      %max3A_377 = arith.maximumf %add3A_369, %add3A_370 : vector<16xf32>
      %max3A_378 = arith.maximumf %max3A_377, %add3A_371 : vector<16xf32>
      %max3A_379 = arith.maximumf %max3A_378, %add3A_372 : vector<16xf32>
      %max3A_380 = arith.maximumf %max3A_379, %add3A_373 : vector<16xf32>
      %max3A_381 = arith.maximumf %max3A_380, %add3A_374 : vector<16xf32>
      %max3A_382 = arith.maximumf %max3A_381, %add3A_375 : vector<16xf32>
      %max3A_383 = arith.maximumf %max3A_382, %add3A_376 : vector<16xf32>
      %eq3A_384 = arith.cmpf oeq, %add3A_369, %max3A_383 : vector<16xf32>
      %eq3A_385 = arith.cmpf oeq, %add3A_370, %max3A_383 : vector<16xf32>
      %eq3A_386 = arith.cmpf oeq, %add3A_371, %max3A_383 : vector<16xf32>
      %eq3A_387 = arith.cmpf oeq, %add3A_372, %max3A_383 : vector<16xf32>
      %eq3A_388 = arith.cmpf oeq, %add3A_373, %max3A_383 : vector<16xf32>
      %eq3A_389 = arith.cmpf oeq, %add3A_374, %max3A_383 : vector<16xf32>
      %eq3A_390 = arith.cmpf oeq, %add3A_375, %max3A_383 : vector<16xf32>
      %eq3A_391 = arith.cmpf oeq, %add3A_376, %max3A_383 : vector<16xf32>
      %broadcast_in_dim3A_392 = arith.constant 8 : i32
      %broadcast_in_dim3A_393 = vector.broadcast %broadcast_in_dim3A_392 : i32 to vector<16xi32>
      %broadcast_in_dim3A_394 = arith.constant 7 : i32
      %broadcast_in_dim3A_395 = vector.broadcast %broadcast_in_dim3A_394 : i32 to vector<16xi32>
      %select_n3A_396 = arith.select %eq3A_391, %broadcast_in_dim3A_395, %broadcast_in_dim3A_393 : vector<16xi1>, vector<16xi32>
      %select_n3A_397 = arith.select %eq3A_391, %get3A_368, %broadcast_in_dim3A_5 : vector<16xi1>, vector<16xf32>
      %broadcast_in_dim3A_398 = arith.constant 6 : i32
      %broadcast_in_dim3A_399 = vector.broadcast %broadcast_in_dim3A_398 : i32 to vector<16xi32>
      %select_n3A_400 = arith.select %eq3A_390, %broadcast_in_dim3A_399, %select_n3A_396 : vector<16xi1>, vector<16xi32>
      %select_n3A_401 = arith.select %eq3A_390, %get3A_361, %select_n3A_397 : vector<16xi1>, vector<16xf32>
      %broadcast_in_dim3A_402 = arith.constant 5 : i32
      %broadcast_in_dim3A_403 = vector.broadcast %broadcast_in_dim3A_402 : i32 to vector<16xi32>
      %select_n3A_404 = arith.select %eq3A_389, %broadcast_in_dim3A_403, %select_n3A_400 : vector<16xi1>, vector<16xi32>
      %select_n3A_405 = arith.select %eq3A_389, %get3A_354, %select_n3A_401 : vector<16xi1>, vector<16xf32>
      %broadcast_in_dim3A_406 = arith.constant 4 : i32
      %broadcast_in_dim3A_407 = vector.broadcast %broadcast_in_dim3A_406 : i32 to vector<16xi32>
      %select_n3A_408 = arith.select %eq3A_388, %broadcast_in_dim3A_407, %select_n3A_404 : vector<16xi1>, vector<16xi32>
      %select_n3A_409 = arith.select %eq3A_388, %get3A_347, %select_n3A_405 : vector<16xi1>, vector<16xf32>
      %broadcast_in_dim3A_410 = arith.constant 3 : i32
      %broadcast_in_dim3A_411 = vector.broadcast %broadcast_in_dim3A_410 : i32 to vector<16xi32>
      %select_n3A_412 = arith.select %eq3A_387, %broadcast_in_dim3A_411, %select_n3A_408 : vector<16xi1>, vector<16xi32>
      %select_n3A_413 = arith.select %eq3A_387, %get3A_340, %select_n3A_409 : vector<16xi1>, vector<16xf32>
      %broadcast_in_dim3A_414 = arith.constant 2 : i32
      %broadcast_in_dim3A_415 = vector.broadcast %broadcast_in_dim3A_414 : i32 to vector<16xi32>
      %select_n3A_416 = arith.select %eq3A_386, %broadcast_in_dim3A_415, %select_n3A_412 : vector<16xi1>, vector<16xi32>
      %select_n3A_417 = arith.select %eq3A_386, %get3A_333, %select_n3A_413 : vector<16xi1>, vector<16xf32>
      %broadcast_in_dim3A_418 = arith.constant 1 : i32
      %broadcast_in_dim3A_419 = vector.broadcast %broadcast_in_dim3A_418 : i32 to vector<16xi32>
      %select_n3A_420 = arith.select %eq3A_385, %broadcast_in_dim3A_419, %select_n3A_416 : vector<16xi1>, vector<16xi32>
      %select_n3A_421 = arith.select %eq3A_385, %get3A_326, %select_n3A_417 : vector<16xi1>, vector<16xf32>
      %broadcast_in_dim3A_422 = arith.constant 0 : i32
      %broadcast_in_dim3A_423 = vector.broadcast %broadcast_in_dim3A_422 : i32 to vector<16xi32>
      %select_n3A_424 = arith.select %eq3A_384, %broadcast_in_dim3A_423, %select_n3A_420 : vector<16xi1>, vector<16xi32>
      %select_n3A_425 = arith.select %eq3A_384, %get3A_319, %select_n3A_421 : vector<16xi1>, vector<16xf32>
      %eq3A_426 = arith.constant 0 : i32
      %eq3A_427 = vector.broadcast %eq3A_426 : i32 to vector<16xi32>
      %eq3A_428 = arith.cmpi eq, %select_n3A_424, %eq3A_427 : vector<16xi32>
      %select_n3A_429 = arith.select %eq3A_428, %broadcast_in_dim3A_3, %add3A_369 : vector<16xi1>, vector<16xf32>
      %eq3A_430 = arith.constant 1 : i32
      %eq3A_431 = vector.broadcast %eq3A_430 : i32 to vector<16xi32>
      %eq3A_432 = arith.cmpi eq, %select_n3A_424, %eq3A_431 : vector<16xi32>
      %select_n3A_433 = arith.select %eq3A_432, %broadcast_in_dim3A_3, %add3A_370 : vector<16xi1>, vector<16xf32>
      %eq3A_434 = arith.constant 2 : i32
      %eq3A_435 = vector.broadcast %eq3A_434 : i32 to vector<16xi32>
      %eq3A_436 = arith.cmpi eq, %select_n3A_424, %eq3A_435 : vector<16xi32>
      %select_n3A_437 = arith.select %eq3A_436, %broadcast_in_dim3A_3, %add3A_371 : vector<16xi1>, vector<16xf32>
      %eq3A_438 = arith.constant 3 : i32
      %eq3A_439 = vector.broadcast %eq3A_438 : i32 to vector<16xi32>
      %eq3A_440 = arith.cmpi eq, %select_n3A_424, %eq3A_439 : vector<16xi32>
      %select_n3A_441 = arith.select %eq3A_440, %broadcast_in_dim3A_3, %add3A_372 : vector<16xi1>, vector<16xf32>
      %eq3A_442 = arith.constant 4 : i32
      %eq3A_443 = vector.broadcast %eq3A_442 : i32 to vector<16xi32>
      %eq3A_444 = arith.cmpi eq, %select_n3A_424, %eq3A_443 : vector<16xi32>
      %select_n3A_445 = arith.select %eq3A_444, %broadcast_in_dim3A_3, %add3A_373 : vector<16xi1>, vector<16xf32>
      %eq3A_446 = arith.constant 5 : i32
      %eq3A_447 = vector.broadcast %eq3A_446 : i32 to vector<16xi32>
      %eq3A_448 = arith.cmpi eq, %select_n3A_424, %eq3A_447 : vector<16xi32>
      %select_n3A_449 = arith.select %eq3A_448, %broadcast_in_dim3A_3, %add3A_374 : vector<16xi1>, vector<16xf32>
      %eq3A_450 = arith.constant 6 : i32
      %eq3A_451 = vector.broadcast %eq3A_450 : i32 to vector<16xi32>
      %eq3A_452 = arith.cmpi eq, %select_n3A_424, %eq3A_451 : vector<16xi32>
      %select_n3A_453 = arith.select %eq3A_452, %broadcast_in_dim3A_3, %add3A_375 : vector<16xi1>, vector<16xf32>
      %eq3A_454 = arith.constant 7 : i32
      %eq3A_455 = vector.broadcast %eq3A_454 : i32 to vector<16xi32>
      %eq3A_456 = arith.cmpi eq, %select_n3A_424, %eq3A_455 : vector<16xi32>
      %select_n3A_457 = arith.select %eq3A_456, %broadcast_in_dim3A_3, %add3A_376 : vector<16xi1>, vector<16xf32>
      %max3A_458 = arith.maximumf %select_n3A_429, %select_n3A_433 : vector<16xf32>
      %max3A_459 = arith.maximumf %max3A_458, %select_n3A_437 : vector<16xf32>
      %max3A_460 = arith.maximumf %max3A_459, %select_n3A_441 : vector<16xf32>
      %max3A_461 = arith.maximumf %max3A_460, %select_n3A_445 : vector<16xf32>
      %max3A_462 = arith.maximumf %max3A_461, %select_n3A_449 : vector<16xf32>
      %max3A_463 = arith.maximumf %max3A_462, %select_n3A_453 : vector<16xf32>
      %max3A_464 = arith.maximumf %max3A_463, %select_n3A_457 : vector<16xf32>
      %eq3A_465 = arith.cmpf oeq, %select_n3A_429, %max3A_464 : vector<16xf32>
      %eq3A_466 = arith.cmpf oeq, %select_n3A_433, %max3A_464 : vector<16xf32>
      %eq3A_467 = arith.cmpf oeq, %select_n3A_437, %max3A_464 : vector<16xf32>
      %eq3A_468 = arith.cmpf oeq, %select_n3A_441, %max3A_464 : vector<16xf32>
      %eq3A_469 = arith.cmpf oeq, %select_n3A_445, %max3A_464 : vector<16xf32>
      %eq3A_470 = arith.cmpf oeq, %select_n3A_449, %max3A_464 : vector<16xf32>
      %eq3A_471 = arith.cmpf oeq, %select_n3A_453, %max3A_464 : vector<16xf32>
      %eq3A_472 = arith.cmpf oeq, %select_n3A_457, %max3A_464 : vector<16xf32>
      %broadcast_in_dim3A_473 = arith.constant 8 : i32
      %broadcast_in_dim3A_474 = vector.broadcast %broadcast_in_dim3A_473 : i32 to vector<16xi32>
      %broadcast_in_dim3A_475 = arith.constant 7 : i32
      %broadcast_in_dim3A_476 = vector.broadcast %broadcast_in_dim3A_475 : i32 to vector<16xi32>
      %select_n3A_477 = arith.select %eq3A_472, %broadcast_in_dim3A_476, %broadcast_in_dim3A_474 : vector<16xi1>, vector<16xi32>
      %select_n3A_478 = arith.select %eq3A_472, %get3A_368, %broadcast_in_dim3A_5 : vector<16xi1>, vector<16xf32>
      %broadcast_in_dim3A_479 = arith.constant 6 : i32
      %broadcast_in_dim3A_480 = vector.broadcast %broadcast_in_dim3A_479 : i32 to vector<16xi32>
      %select_n3A_481 = arith.select %eq3A_471, %broadcast_in_dim3A_480, %select_n3A_477 : vector<16xi1>, vector<16xi32>
      %select_n3A_482 = arith.select %eq3A_471, %get3A_361, %select_n3A_478 : vector<16xi1>, vector<16xf32>
      %broadcast_in_dim3A_483 = arith.constant 5 : i32
      %broadcast_in_dim3A_484 = vector.broadcast %broadcast_in_dim3A_483 : i32 to vector<16xi32>
      %select_n3A_485 = arith.select %eq3A_470, %broadcast_in_dim3A_484, %select_n3A_481 : vector<16xi1>, vector<16xi32>
      %select_n3A_486 = arith.select %eq3A_470, %get3A_354, %select_n3A_482 : vector<16xi1>, vector<16xf32>
      %broadcast_in_dim3A_487 = arith.constant 4 : i32
      %broadcast_in_dim3A_488 = vector.broadcast %broadcast_in_dim3A_487 : i32 to vector<16xi32>
      %select_n3A_489 = arith.select %eq3A_469, %broadcast_in_dim3A_488, %select_n3A_485 : vector<16xi1>, vector<16xi32>
      %select_n3A_490 = arith.select %eq3A_469, %get3A_347, %select_n3A_486 : vector<16xi1>, vector<16xf32>
      %broadcast_in_dim3A_491 = arith.constant 3 : i32
      %broadcast_in_dim3A_492 = vector.broadcast %broadcast_in_dim3A_491 : i32 to vector<16xi32>
      %select_n3A_493 = arith.select %eq3A_468, %broadcast_in_dim3A_492, %select_n3A_489 : vector<16xi1>, vector<16xi32>
      %select_n3A_494 = arith.select %eq3A_468, %get3A_340, %select_n3A_490 : vector<16xi1>, vector<16xf32>
      %broadcast_in_dim3A_495 = arith.constant 2 : i32
      %broadcast_in_dim3A_496 = vector.broadcast %broadcast_in_dim3A_495 : i32 to vector<16xi32>
      %select_n3A_497 = arith.select %eq3A_467, %broadcast_in_dim3A_496, %select_n3A_493 : vector<16xi1>, vector<16xi32>
      %select_n3A_498 = arith.select %eq3A_467, %get3A_333, %select_n3A_494 : vector<16xi1>, vector<16xf32>
      %broadcast_in_dim3A_499 = arith.constant 1 : i32
      %broadcast_in_dim3A_500 = vector.broadcast %broadcast_in_dim3A_499 : i32 to vector<16xi32>
      %select_n3A_501 = arith.select %eq3A_466, %broadcast_in_dim3A_500, %select_n3A_497 : vector<16xi1>, vector<16xi32>
      %select_n3A_502 = arith.select %eq3A_466, %get3A_326, %select_n3A_498 : vector<16xi1>, vector<16xf32>
      %broadcast_in_dim3A_503 = arith.constant 0 : i32
      %broadcast_in_dim3A_504 = vector.broadcast %broadcast_in_dim3A_503 : i32 to vector<16xi32>
      %select_n3A_505 = arith.select %eq3A_465, %broadcast_in_dim3A_504, %select_n3A_501 : vector<16xi1>, vector<16xi32>
      %select_n3A_506 = arith.select %eq3A_465, %get3A_319, %select_n3A_502 : vector<16xi1>, vector<16xf32>
      %add3A_507 = arith.addf %select_n3A_425, %select_n3A_506 : vector<16xf32>
      %div3A_508 = arith.constant 1.000000e+00 : f32
      %div3A_509 = vector.broadcast %div3A_508 : f32 to vector<16xf32>
      %div3A_510 = arith.divf %div3A_509, %add3A_507 : vector<16xf32>
      %jit3A_511 = arith.constant 8 : i32
      %div3A_512 = arith.divsi %scan3A_312, %jit3A_511 : i32
      %sign3A_513 = arith.constant 0 : i32
      %sign3A_514 = arith.cmpi sgt, %scan3A_312, %sign3A_513 : i32
      %sign3A_515 = arith.extui %sign3A_514 : i1 to i32
      %sign3A_516 = arith.constant 0 : i32
      %sign3A_517 = arith.cmpi slt, %scan3A_312, %sign3A_516 : i32
      %sign3A_518 = arith.extui %sign3A_517 : i1 to i32
      %sign3A_519 = arith.subi %sign3A_515, %sign3A_518 : i32
      %sign3A_520 = arith.constant 0 : i32
      %sign3A_521 = arith.cmpi sgt, %jit3A_511, %sign3A_520 : i32
      %sign3A_522 = arith.extui %sign3A_521 : i1 to i32
      %sign3A_523 = arith.constant 0 : i32
      %sign3A_524 = arith.cmpi slt, %jit3A_511, %sign3A_523 : i32
      %sign3A_525 = arith.extui %sign3A_524 : i1 to i32
      %sign3A_526 = arith.subi %sign3A_522, %sign3A_525 : i32
      %ne3A_527 = arith.cmpi ne, %sign3A_519, %sign3A_526 : i32
      %rem3A_528 = arith.remsi %scan3A_312, %jit3A_511 : i32
      %ne3A_529 = arith.constant 0 : i32
      %ne3A_530 = arith.cmpi ne, %rem3A_528, %ne3A_529 : i32
      %and3A_531 = arith.andi %ne3A_527, %ne3A_530 : i1
      %sub3A_532 = arith.constant 1 : i32
      %sub3A_533 = arith.subi %div3A_512, %sub3A_532 : i32
      %select_n3A_534 = arith.select %and3A_531, %sub3A_533, %div3A_512 : i32
      %mul3A_535 = arith.constant 256 : i32
      %mul3A_536 = arith.muli %select_n3A_534, %mul3A_535 : i32
      %jit3A_537 = arith.constant 8 : i32
      %eq3A_538 = arith.constant 0 : i32
      %eq3A_539 = arith.cmpi eq, %jit3A_537, %eq3A_538 : i32
      %jit3A_540 = arith.constant 1 : i32
      %select_n3A_541 = arith.select %eq3A_539, %jit3A_540, %jit3A_537 : i32
      %rem3A_542 = arith.remsi %scan3A_312, %select_n3A_541 : i32
      %ne3A_543 = arith.constant 0 : i32
      %ne3A_544 = arith.cmpi ne, %rem3A_542, %ne3A_543 : i32
      %lt3A_545 = arith.constant 0 : i32
      %lt3A_546 = arith.cmpi slt, %rem3A_542, %lt3A_545 : i32
      %lt3A_547 = arith.constant 0 : i32
      %lt3A_548 = arith.cmpi slt, %select_n3A_541, %lt3A_547 : i32
      %ne3A_549 = arith.xori %lt3A_546, %lt3A_548 : i1
      %and3A_550 = arith.andi %ne3A_549, %ne3A_544 : i1
      %add3A_551 = arith.addi %rem3A_542, %select_n3A_541 : i32
      %select_n3A_552 = arith.select %and3A_550, %add3A_551, %rem3A_542 : i32
      %mul3A_553 = arith.constant 16 : i32
      %mul3A_554 = arith.muli %select_n3A_552, %mul3A_553 : i32
      %add3A_555 = arith.addi %mul3A_536, %mul3A_554 : i32
      %mul3A_556 = arith.mulf %select_n3A_425, %div3A_510 : vector<16xf32>
      %swap3A_557 = arith.index_cast %add3A_555 : i32 to index
      %swap3A_558 = tpu.vector_load %arg8[%swap3A_557] {strides = array<i32>} : memref<1024xf32, #tpu.memory_space<vmem>>, vector<16xf32>,
      %swap3A_559 = vector.shape_cast %swap3A_558 : vector<16xf32> to vector<16xf32>
      %swap3A_560 = vector.shape_cast %mul3A_556 : vector<16xf32> to vector<16xf32>
      tpu.vector_store %arg8[%swap3A_557], %swap3A_560 {strides = array<i32>} : memref<1024xf32, #tpu.memory_space<vmem>>, vector<16xf32>,
      %mul3A_561 = arith.mulf %select_n3A_506, %div3A_510 : vector<16xf32>
      %add3A_562 = arith.constant 128 : i32
      %add3A_563 = arith.addi %add3A_555, %add3A_562 : i32
      %swap3A_564 = arith.index_cast %add3A_563 : i32 to index
      %swap3A_565 = tpu.vector_load %arg8[%swap3A_564] {strides = array<i32>} : memref<1024xf32, #tpu.memory_space<vmem>>, vector<16xf32>,
      %swap3A_566 = vector.shape_cast %swap3A_565 : vector<16xf32> to vector<16xf32>
      %swap3A_567 = vector.shape_cast %mul3A_561 : vector<16xf32> to vector<16xf32>
      tpu.vector_store %arg8[%swap3A_564], %swap3A_567 {strides = array<i32>} : memref<1024xf32, #tpu.memory_space<vmem>>, vector<16xf32>,
      %swap3A_568 = arith.index_cast %add3A_555 : i32 to index
      %swap3A_569 = tpu.vector_load %arg9[%swap3A_568] {strides = array<i32>} : memref<1024xi32, #tpu.memory_space<vmem>>, vector<16xi32>,
      %swap3A_570 = vector.shape_cast %swap3A_569 : vector<16xi32> to vector<16xi32>
      %swap3A_571 = vector.shape_cast %select_n3A_424 : vector<16xi32> to vector<16xi32>
      tpu.vector_store %arg9[%swap3A_568], %swap3A_571 {strides = array<i32>} : memref<1024xi32, #tpu.memory_space<vmem>>, vector<16xi32>,
      %add3A_572 = arith.constant 128 : i32
      %add3A_573 = arith.addi %add3A_555, %add3A_572 : i32
      %swap3A_574 = arith.index_cast %add3A_573 : i32 to index
      %swap3A_575 = tpu.vector_load %arg9[%swap3A_574] {strides = array<i32>} : memref<1024xi32, #tpu.memory_space<vmem>>, vector<16xi32>,
      %swap3A_576 = vector.shape_cast %swap3A_575 : vector<16xi32> to vector<16xi32>
      %swap3A_577 = vector.shape_cast %select_n3A_505 : vector<16xi32> to vector<16xi32>
      tpu.vector_store %arg9[%swap3A_574], %swap3A_577 {strides = array<i32>} : memref<1024xi32, #tpu.memory_space<vmem>>, vector<16xi32>,
      %scan3A_578 = arith.constant 0 : i32
      %scan3A_579 = arith.constant 2 : i32
      %scan3A_580 = arith.addi %scan3A_55, %scan3A_579 : i32
      %mul3A_581 = arith.constant 16 : i32
      %mul3A_582 = arith.muli %scan3A_580, %mul3A_581 : i32
      %get3A_583 = arith.constant 0 : i32
      %get3A_584 = arith.index_cast %get3A_583 : i32 to index
      %get3A_585 = arith.index_cast %mul3A_582 : i32 to index
      %get3A_586 = tpu.vector_load %arg6[%get3A_584, %get3A_585] {strides = array<i32>} : memref<8x512xf32, #tpu.memory_space<vmem>>, vector<1x16xf32>,
      %get3A_587 = vector.shape_cast %get3A_586 : vector<1x16xf32> to vector<16xf32>
      %mul3A_588 = arith.constant 16 : i32
      %mul3A_589 = arith.muli %scan3A_580, %mul3A_588 : i32
      %get3A_590 = arith.constant 1 : i32
      %get3A_591 = arith.index_cast %get3A_590 : i32 to index
      %get3A_592 = arith.index_cast %mul3A_589 : i32 to index
      %get3A_593 = tpu.vector_load %arg6[%get3A_591, %get3A_592] {strides = array<i32>} : memref<8x512xf32, #tpu.memory_space<vmem>>, vector<1x16xf32>,
      %get3A_594 = vector.shape_cast %get3A_593 : vector<1x16xf32> to vector<16xf32>
      %mul3A_595 = arith.constant 16 : i32
      %mul3A_596 = arith.muli %scan3A_580, %mul3A_595 : i32
      %get3A_597 = arith.constant 2 : i32
      %get3A_598 = arith.index_cast %get3A_597 : i32 to index
      %get3A_599 = arith.index_cast %mul3A_596 : i32 to index
      %get3A_600 = tpu.vector_load %arg6[%get3A_598, %get3A_599] {strides = array<i32>} : memref<8x512xf32, #tpu.memory_space<vmem>>, vector<1x16xf32>,
      %get3A_601 = vector.shape_cast %get3A_600 : vector<1x16xf32> to vector<16xf32>
      %mul3A_602 = arith.constant 16 : i32
      %mul3A_603 = arith.muli %scan3A_580, %mul3A_602 : i32
      %get3A_604 = arith.constant 3 : i32
      %get3A_605 = arith.index_cast %get3A_604 : i32 to index
      %get3A_606 = arith.index_cast %mul3A_603 : i32 to index
      %get3A_607 = tpu.vector_load %arg6[%get3A_605, %get3A_606] {strides = array<i32>} : memref<8x512xf32, #tpu.memory_space<vmem>>, vector<1x16xf32>,
      %get3A_608 = vector.shape_cast %get3A_607 : vector<1x16xf32> to vector<16xf32>
      %mul3A_609 = arith.constant 16 : i32
      %mul3A_610 = arith.muli %scan3A_580, %mul3A_609 : i32
      %get3A_611 = arith.constant 4 : i32
      %get3A_612 = arith.index_cast %get3A_611 : i32 to index
      %get3A_613 = arith.index_cast %mul3A_610 : i32 to index
      %get3A_614 = tpu.vector_load %arg6[%get3A_612, %get3A_613] {strides = array<i32>} : memref<8x512xf32, #tpu.memory_space<vmem>>, vector<1x16xf32>,
      %get3A_615 = vector.shape_cast %get3A_614 : vector<1x16xf32> to vector<16xf32>
      %mul3A_616 = arith.constant 16 : i32
      %mul3A_617 = arith.muli %scan3A_580, %mul3A_616 : i32
      %get3A_618 = arith.constant 5 : i32
      %get3A_619 = arith.index_cast %get3A_618 : i32 to index
      %get3A_620 = arith.index_cast %mul3A_617 : i32 to index
      %get3A_621 = tpu.vector_load %arg6[%get3A_619, %get3A_620] {strides = array<i32>} : memref<8x512xf32, #tpu.memory_space<vmem>>, vector<1x16xf32>,
      %get3A_622 = vector.shape_cast %get3A_621 : vector<1x16xf32> to vector<16xf32>
      %mul3A_623 = arith.constant 16 : i32
      %mul3A_624 = arith.muli %scan3A_580, %mul3A_623 : i32
      %get3A_625 = arith.constant 6 : i32
      %get3A_626 = arith.index_cast %get3A_625 : i32 to index
      %get3A_627 = arith.index_cast %mul3A_624 : i32 to index
      %get3A_628 = tpu.vector_load %arg6[%get3A_626, %get3A_627] {strides = array<i32>} : memref<8x512xf32, #tpu.memory_space<vmem>>, vector<1x16xf32>,
      %get3A_629 = vector.shape_cast %get3A_628 : vector<1x16xf32> to vector<16xf32>
      %mul3A_630 = arith.constant 16 : i32
      %mul3A_631 = arith.muli %scan3A_580, %mul3A_630 : i32
      %get3A_632 = arith.constant 7 : i32
      %get3A_633 = arith.index_cast %get3A_632 : i32 to index
      %get3A_634 = arith.index_cast %mul3A_631 : i32 to index
      %get3A_635 = tpu.vector_load %arg6[%get3A_633, %get3A_634] {strides = array<i32>} : memref<8x512xf32, #tpu.memory_space<vmem>>, vector<1x16xf32>,
      %get3A_636 = vector.shape_cast %get3A_635 : vector<1x16xf32> to vector<16xf32>
      %add3A_637 = arith.addf %get3A_587, %get3A_9 : vector<16xf32>
      %add3A_638 = arith.addf %get3A_594, %get3A_14 : vector<16xf32>
      %add3A_639 = arith.addf %get3A_601, %get3A_19 : vector<16xf32>
      %add3A_640 = arith.addf %get3A_608, %get3A_24 : vector<16xf32>
      %add3A_641 = arith.addf %get3A_615, %get3A_29 : vector<16xf32>
      %add3A_642 = arith.addf %get3A_622, %get3A_34 : vector<16xf32>
      %add3A_643 = arith.addf %get3A_629, %get3A_39 : vector<16xf32>
      %add3A_644 = arith.addf %get3A_636, %get3A_44 : vector<16xf32>
      %max3A_645 = arith.maximumf %add3A_637, %add3A_638 : vector<16xf32>
      %max3A_646 = arith.maximumf %max3A_645, %add3A_639 : vector<16xf32>
      %max3A_647 = arith.maximumf %max3A_646, %add3A_640 : vector<16xf32>
      %max3A_648 = arith.maximumf %max3A_647, %add3A_641 : vector<16xf32>
      %max3A_649 = arith.maximumf %max3A_648, %add3A_642 : vector<16xf32>
      %max3A_650 = arith.maximumf %max3A_649, %add3A_643 : vector<16xf32>
      %max3A_651 = arith.maximumf %max3A_650, %add3A_644 : vector<16xf32>
      %eq3A_652 = arith.cmpf oeq, %add3A_637, %max3A_651 : vector<16xf32>
      %eq3A_653 = arith.cmpf oeq, %add3A_638, %max3A_651 : vector<16xf32>
      %eq3A_654 = arith.cmpf oeq, %add3A_639, %max3A_651 : vector<16xf32>
      %eq3A_655 = arith.cmpf oeq, %add3A_640, %max3A_651 : vector<16xf32>
      %eq3A_656 = arith.cmpf oeq, %add3A_641, %max3A_651 : vector<16xf32>
      %eq3A_657 = arith.cmpf oeq, %add3A_642, %max3A_651 : vector<16xf32>
      %eq3A_658 = arith.cmpf oeq, %add3A_643, %max3A_651 : vector<16xf32>
      %eq3A_659 = arith.cmpf oeq, %add3A_644, %max3A_651 : vector<16xf32>
      %broadcast_in_dim3A_660 = arith.constant 8 : i32
      %broadcast_in_dim3A_661 = vector.broadcast %broadcast_in_dim3A_660 : i32 to vector<16xi32>
      %broadcast_in_dim3A_662 = arith.constant 7 : i32
      %broadcast_in_dim3A_663 = vector.broadcast %broadcast_in_dim3A_662 : i32 to vector<16xi32>
      %select_n3A_664 = arith.select %eq3A_659, %broadcast_in_dim3A_663, %broadcast_in_dim3A_661 : vector<16xi1>, vector<16xi32>
      %select_n3A_665 = arith.select %eq3A_659, %get3A_636, %broadcast_in_dim3A_5 : vector<16xi1>, vector<16xf32>
      %broadcast_in_dim3A_666 = arith.constant 6 : i32
      %broadcast_in_dim3A_667 = vector.broadcast %broadcast_in_dim3A_666 : i32 to vector<16xi32>
      %select_n3A_668 = arith.select %eq3A_658, %broadcast_in_dim3A_667, %select_n3A_664 : vector<16xi1>, vector<16xi32>
      %select_n3A_669 = arith.select %eq3A_658, %get3A_629, %select_n3A_665 : vector<16xi1>, vector<16xf32>
      %broadcast_in_dim3A_670 = arith.constant 5 : i32
      %broadcast_in_dim3A_671 = vector.broadcast %broadcast_in_dim3A_670 : i32 to vector<16xi32>
      %select_n3A_672 = arith.select %eq3A_657, %broadcast_in_dim3A_671, %select_n3A_668 : vector<16xi1>, vector<16xi32>
      %select_n3A_673 = arith.select %eq3A_657, %get3A_622, %select_n3A_669 : vector<16xi1>, vector<16xf32>
      %broadcast_in_dim3A_674 = arith.constant 4 : i32
      %broadcast_in_dim3A_675 = vector.broadcast %broadcast_in_dim3A_674 : i32 to vector<16xi32>
      %select_n3A_676 = arith.select %eq3A_656, %broadcast_in_dim3A_675, %select_n3A_672 : vector<16xi1>, vector<16xi32>
      %select_n3A_677 = arith.select %eq3A_656, %get3A_615, %select_n3A_673 : vector<16xi1>, vector<16xf32>
      %broadcast_in_dim3A_678 = arith.constant 3 : i32
      %broadcast_in_dim3A_679 = vector.broadcast %broadcast_in_dim3A_678 : i32 to vector<16xi32>
      %select_n3A_680 = arith.select %eq3A_655, %broadcast_in_dim3A_679, %select_n3A_676 : vector<16xi1>, vector<16xi32>
      %select_n3A_681 = arith.select %eq3A_655, %get3A_608, %select_n3A_677 : vector<16xi1>, vector<16xf32>
      %broadcast_in_dim3A_682 = arith.constant 2 : i32
      %broadcast_in_dim3A_683 = vector.broadcast %broadcast_in_dim3A_682 : i32 to vector<16xi32>
      %select_n3A_684 = arith.select %eq3A_654, %broadcast_in_dim3A_683, %select_n3A_680 : vector<16xi1>, vector<16xi32>
      %select_n3A_685 = arith.select %eq3A_654, %get3A_601, %select_n3A_681 : vector<16xi1>, vector<16xf32>
      %broadcast_in_dim3A_686 = arith.constant 1 : i32
      %broadcast_in_dim3A_687 = vector.broadcast %broadcast_in_dim3A_686 : i32 to vector<16xi32>
      %select_n3A_688 = arith.select %eq3A_653, %broadcast_in_dim3A_687, %select_n3A_684 : vector<16xi1>, vector<16xi32>
      %select_n3A_689 = arith.select %eq3A_653, %get3A_594, %select_n3A_685 : vector<16xi1>, vector<16xf32>
      %broadcast_in_dim3A_690 = arith.constant 0 : i32
      %broadcast_in_dim3A_691 = vector.broadcast %broadcast_in_dim3A_690 : i32 to vector<16xi32>
      %select_n3A_692 = arith.select %eq3A_652, %broadcast_in_dim3A_691, %select_n3A_688 : vector<16xi1>, vector<16xi32>
      %select_n3A_693 = arith.select %eq3A_652, %get3A_587, %select_n3A_689 : vector<16xi1>, vector<16xf32>
      %eq3A_694 = arith.constant 0 : i32
      %eq3A_695 = vector.broadcast %eq3A_694 : i32 to vector<16xi32>
      %eq3A_696 = arith.cmpi eq, %select_n3A_692, %eq3A_695 : vector<16xi32>
      %select_n3A_697 = arith.select %eq3A_696, %broadcast_in_dim3A_3, %add3A_637 : vector<16xi1>, vector<16xf32>
      %eq3A_698 = arith.constant 1 : i32
      %eq3A_699 = vector.broadcast %eq3A_698 : i32 to vector<16xi32>
      %eq3A_700 = arith.cmpi eq, %select_n3A_692, %eq3A_699 : vector<16xi32>
      %select_n3A_701 = arith.select %eq3A_700, %broadcast_in_dim3A_3, %add3A_638 : vector<16xi1>, vector<16xf32>
      %eq3A_702 = arith.constant 2 : i32
      %eq3A_703 = vector.broadcast %eq3A_702 : i32 to vector<16xi32>
      %eq3A_704 = arith.cmpi eq, %select_n3A_692, %eq3A_703 : vector<16xi32>
      %select_n3A_705 = arith.select %eq3A_704, %broadcast_in_dim3A_3, %add3A_639 : vector<16xi1>, vector<16xf32>
      %eq3A_706 = arith.constant 3 : i32
      %eq3A_707 = vector.broadcast %eq3A_706 : i32 to vector<16xi32>
      %eq3A_708 = arith.cmpi eq, %select_n3A_692, %eq3A_707 : vector<16xi32>
      %select_n3A_709 = arith.select %eq3A_708, %broadcast_in_dim3A_3, %add3A_640 : vector<16xi1>, vector<16xf32>
      %eq3A_710 = arith.constant 4 : i32
      %eq3A_711 = vector.broadcast %eq3A_710 : i32 to vector<16xi32>
      %eq3A_712 = arith.cmpi eq, %select_n3A_692, %eq3A_711 : vector<16xi32>
      %select_n3A_713 = arith.select %eq3A_712, %broadcast_in_dim3A_3, %add3A_641 : vector<16xi1>, vector<16xf32>
      %eq3A_714 = arith.constant 5 : i32
      %eq3A_715 = vector.broadcast %eq3A_714 : i32 to vector<16xi32>
      %eq3A_716 = arith.cmpi eq, %select_n3A_692, %eq3A_715 : vector<16xi32>
      %select_n3A_717 = arith.select %eq3A_716, %broadcast_in_dim3A_3, %add3A_642 : vector<16xi1>, vector<16xf32>
      %eq3A_718 = arith.constant 6 : i32
      %eq3A_719 = vector.broadcast %eq3A_718 : i32 to vector<16xi32>
      %eq3A_720 = arith.cmpi eq, %select_n3A_692, %eq3A_719 : vector<16xi32>
      %select_n3A_721 = arith.select %eq3A_720, %broadcast_in_dim3A_3, %add3A_643 : vector<16xi1>, vector<16xf32>
      %eq3A_722 = arith.constant 7 : i32
      %eq3A_723 = vector.broadcast %eq3A_722 : i32 to vector<16xi32>
      %eq3A_724 = arith.cmpi eq, %select_n3A_692, %eq3A_723 : vector<16xi32>
      %select_n3A_725 = arith.select %eq3A_724, %broadcast_in_dim3A_3, %add3A_644 : vector<16xi1>, vector<16xf32>
      %max3A_726 = arith.maximumf %select_n3A_697, %select_n3A_701 : vector<16xf32>
      %max3A_727 = arith.maximumf %max3A_726, %select_n3A_705 : vector<16xf32>
      %max3A_728 = arith.maximumf %max3A_727, %select_n3A_709 : vector<16xf32>
      %max3A_729 = arith.maximumf %max3A_728, %select_n3A_713 : vector<16xf32>
      %max3A_730 = arith.maximumf %max3A_729, %select_n3A_717 : vector<16xf32>
      %max3A_731 = arith.maximumf %max3A_730, %select_n3A_721 : vector<16xf32>
      %max3A_732 = arith.maximumf %max3A_731, %select_n3A_725 : vector<16xf32>
      %eq3A_733 = arith.cmpf oeq, %select_n3A_697, %max3A_732 : vector<16xf32>
      %eq3A_734 = arith.cmpf oeq, %select_n3A_701, %max3A_732 : vector<16xf32>
      %eq3A_735 = arith.cmpf oeq, %select_n3A_705, %max3A_732 : vector<16xf32>
      %eq3A_736 = arith.cmpf oeq, %select_n3A_709, %max3A_732 : vector<16xf32>
      %eq3A_737 = arith.cmpf oeq, %select_n3A_713, %max3A_732 : vector<16xf32>
      %eq3A_738 = arith.cmpf oeq, %select_n3A_717, %max3A_732 : vector<16xf32>
      %eq3A_739 = arith.cmpf oeq, %select_n3A_721, %max3A_732 : vector<16xf32>
      %eq3A_740 = arith.cmpf oeq, %select_n3A_725, %max3A_732 : vector<16xf32>
      %broadcast_in_dim3A_741 = arith.constant 8 : i32
      %broadcast_in_dim3A_742 = vector.broadcast %broadcast_in_dim3A_741 : i32 to vector<16xi32>
      %broadcast_in_dim3A_743 = arith.constant 7 : i32
      %broadcast_in_dim3A_744 = vector.broadcast %broadcast_in_dim3A_743 : i32 to vector<16xi32>
      %select_n3A_745 = arith.select %eq3A_740, %broadcast_in_dim3A_744, %broadcast_in_dim3A_742 : vector<16xi1>, vector<16xi32>
      %select_n3A_746 = arith.select %eq3A_740, %get3A_636, %broadcast_in_dim3A_5 : vector<16xi1>, vector<16xf32>
      %broadcast_in_dim3A_747 = arith.constant 6 : i32
      %broadcast_in_dim3A_748 = vector.broadcast %broadcast_in_dim3A_747 : i32 to vector<16xi32>
      %select_n3A_749 = arith.select %eq3A_739, %broadcast_in_dim3A_748, %select_n3A_745 : vector<16xi1>, vector<16xi32>
      %select_n3A_750 = arith.select %eq3A_739, %get3A_629, %select_n3A_746 : vector<16xi1>, vector<16xf32>
      %broadcast_in_dim3A_751 = arith.constant 5 : i32
      %broadcast_in_dim3A_752 = vector.broadcast %broadcast_in_dim3A_751 : i32 to vector<16xi32>
      %select_n3A_753 = arith.select %eq3A_738, %broadcast_in_dim3A_752, %select_n3A_749 : vector<16xi1>, vector<16xi32>
      %select_n3A_754 = arith.select %eq3A_738, %get3A_622, %select_n3A_750 : vector<16xi1>, vector<16xf32>
      %broadcast_in_dim3A_755 = arith.constant 4 : i32
      %broadcast_in_dim3A_756 = vector.broadcast %broadcast_in_dim3A_755 : i32 to vector<16xi32>
      %select_n3A_757 = arith.select %eq3A_737, %broadcast_in_dim3A_756, %select_n3A_753 : vector<16xi1>, vector<16xi32>
      %select_n3A_758 = arith.select %eq3A_737, %get3A_615, %select_n3A_754 : vector<16xi1>, vector<16xf32>
      %broadcast_in_dim3A_759 = arith.constant 3 : i32
      %broadcast_in_dim3A_760 = vector.broadcast %broadcast_in_dim3A_759 : i32 to vector<16xi32>
      %select_n3A_761 = arith.select %eq3A_736, %broadcast_in_dim3A_760, %select_n3A_757 : vector<16xi1>, vector<16xi32>
      %select_n3A_762 = arith.select %eq3A_736, %get3A_608, %select_n3A_758 : vector<16xi1>, vector<16xf32>
      %broadcast_in_dim3A_763 = arith.constant 2 : i32
      %broadcast_in_dim3A_764 = vector.broadcast %broadcast_in_dim3A_763 : i32 to vector<16xi32>
      %select_n3A_765 = arith.select %eq3A_735, %broadcast_in_dim3A_764, %select_n3A_761 : vector<16xi1>, vector<16xi32>
      %select_n3A_766 = arith.select %eq3A_735, %get3A_601, %select_n3A_762 : vector<16xi1>, vector<16xf32>
      %broadcast_in_dim3A_767 = arith.constant 1 : i32
      %broadcast_in_dim3A_768 = vector.broadcast %broadcast_in_dim3A_767 : i32 to vector<16xi32>
      %select_n3A_769 = arith.select %eq3A_734, %broadcast_in_dim3A_768, %select_n3A_765 : vector<16xi1>, vector<16xi32>
      %select_n3A_770 = arith.select %eq3A_734, %get3A_594, %select_n3A_766 : vector<16xi1>, vector<16xf32>
      %broadcast_in_dim3A_771 = arith.constant 0 : i32
      %broadcast_in_dim3A_772 = vector.broadcast %broadcast_in_dim3A_771 : i32 to vector<16xi32>
      %select_n3A_773 = arith.select %eq3A_733, %broadcast_in_dim3A_772, %select_n3A_769 : vector<16xi1>, vector<16xi32>
      %select_n3A_774 = arith.select %eq3A_733, %get3A_587, %select_n3A_770 : vector<16xi1>, vector<16xf32>
      %add3A_775 = arith.addf %select_n3A_693, %select_n3A_774 : vector<16xf32>
      %div3A_776 = arith.constant 1.000000e+00 : f32
      %div3A_777 = vector.broadcast %div3A_776 : f32 to vector<16xf32>
      %div3A_778 = arith.divf %div3A_777, %add3A_775 : vector<16xf32>
      %jit3A_779 = arith.constant 8 : i32
      %div3A_780 = arith.divsi %scan3A_580, %jit3A_779 : i32
      %sign3A_781 = arith.constant 0 : i32
      %sign3A_782 = arith.cmpi sgt, %scan3A_580, %sign3A_781 : i32
      %sign3A_783 = arith.extui %sign3A_782 : i1 to i32
      %sign3A_784 = arith.constant 0 : i32
      %sign3A_785 = arith.cmpi slt, %scan3A_580, %sign3A_784 : i32
      %sign3A_786 = arith.extui %sign3A_785 : i1 to i32
      %sign3A_787 = arith.subi %sign3A_783, %sign3A_786 : i32
      %sign3A_788 = arith.constant 0 : i32
      %sign3A_789 = arith.cmpi sgt, %jit3A_779, %sign3A_788 : i32
      %sign3A_790 = arith.extui %sign3A_789 : i1 to i32
      %sign3A_791 = arith.constant 0 : i32
      %sign3A_792 = arith.cmpi slt, %jit3A_779, %sign3A_791 : i32
      %sign3A_793 = arith.extui %sign3A_792 : i1 to i32
      %sign3A_794 = arith.subi %sign3A_790, %sign3A_793 : i32
      %ne3A_795 = arith.cmpi ne, %sign3A_787, %sign3A_794 : i32
      %rem3A_796 = arith.remsi %scan3A_580, %jit3A_779 : i32
      %ne3A_797 = arith.constant 0 : i32
      %ne3A_798 = arith.cmpi ne, %rem3A_796, %ne3A_797 : i32
      %and3A_799 = arith.andi %ne3A_795, %ne3A_798 : i1
      %sub3A_800 = arith.constant 1 : i32
      %sub3A_801 = arith.subi %div3A_780, %sub3A_800 : i32
      %select_n3A_802 = arith.select %and3A_799, %sub3A_801, %div3A_780 : i32
      %mul3A_803 = arith.constant 256 : i32
      %mul3A_804 = arith.muli %select_n3A_802, %mul3A_803 : i32
      %jit3A_805 = arith.constant 8 : i32
      %eq3A_806 = arith.constant 0 : i32
      %eq3A_807 = arith.cmpi eq, %jit3A_805, %eq3A_806 : i32
      %jit3A_808 = arith.constant 1 : i32
      %select_n3A_809 = arith.select %eq3A_807, %jit3A_808, %jit3A_805 : i32
      %rem3A_810 = arith.remsi %scan3A_580, %select_n3A_809 : i32
      %ne3A_811 = arith.constant 0 : i32
      %ne3A_812 = arith.cmpi ne, %rem3A_810, %ne3A_811 : i32
      %lt3A_813 = arith.constant 0 : i32
      %lt3A_814 = arith.cmpi slt, %rem3A_810, %lt3A_813 : i32
      %lt3A_815 = arith.constant 0 : i32
      %lt3A_816 = arith.cmpi slt, %select_n3A_809, %lt3A_815 : i32
      %ne3A_817 = arith.xori %lt3A_814, %lt3A_816 : i1
      %and3A_818 = arith.andi %ne3A_817, %ne3A_812 : i1
      %add3A_819 = arith.addi %rem3A_810, %select_n3A_809 : i32
      %select_n3A_820 = arith.select %and3A_818, %add3A_819, %rem3A_810 : i32
      %mul3A_821 = arith.constant 16 : i32
      %mul3A_822 = arith.muli %select_n3A_820, %mul3A_821 : i32
      %add3A_823 = arith.addi %mul3A_804, %mul3A_822 : i32
      %mul3A_824 = arith.mulf %select_n3A_693, %div3A_778 : vector<16xf32>
      %swap3A_825 = arith.index_cast %add3A_823 : i32 to index
      %swap3A_826 = tpu.vector_load %arg8[%swap3A_825] {strides = array<i32>} : memref<1024xf32, #tpu.memory_space<vmem>>, vector<16xf32>,
      %swap3A_827 = vector.shape_cast %swap3A_826 : vector<16xf32> to vector<16xf32>
      %swap3A_828 = vector.shape_cast %mul3A_824 : vector<16xf32> to vector<16xf32>
      tpu.vector_store %arg8[%swap3A_825], %swap3A_828 {strides = array<i32>} : memref<1024xf32, #tpu.memory_space<vmem>>, vector<16xf32>,
      %mul3A_829 = arith.mulf %select_n3A_774, %div3A_778 : vector<16xf32>
      %add3A_830 = arith.constant 128 : i32
      %add3A_831 = arith.addi %add3A_823, %add3A_830 : i32
      %swap3A_832 = arith.index_cast %add3A_831 : i32 to index
      %swap3A_833 = tpu.vector_load %arg8[%swap3A_832] {strides = array<i32>} : memref<1024xf32, #tpu.memory_space<vmem>>, vector<16xf32>,
      %swap3A_834 = vector.shape_cast %swap3A_833 : vector<16xf32> to vector<16xf32>
      %swap3A_835 = vector.shape_cast %mul3A_829 : vector<16xf32> to vector<16xf32>
      tpu.vector_store %arg8[%swap3A_832], %swap3A_835 {strides = array<i32>} : memref<1024xf32, #tpu.memory_space<vmem>>, vector<16xf32>,
      %swap3A_836 = arith.index_cast %add3A_823 : i32 to index
      %swap3A_837 = tpu.vector_load %arg9[%swap3A_836] {strides = array<i32>} : memref<1024xi32, #tpu.memory_space<vmem>>, vector<16xi32>,
      %swap3A_838 = vector.shape_cast %swap3A_837 : vector<16xi32> to vector<16xi32>
      %swap3A_839 = vector.shape_cast %select_n3A_692 : vector<16xi32> to vector<16xi32>
      tpu.vector_store %arg9[%swap3A_836], %swap3A_839 {strides = array<i32>} : memref<1024xi32, #tpu.memory_space<vmem>>, vector<16xi32>,
      %add3A_840 = arith.constant 128 : i32
      %add3A_841 = arith.addi %add3A_823, %add3A_840 : i32
      %swap3A_842 = arith.index_cast %add3A_841 : i32 to index
      %swap3A_843 = tpu.vector_load %arg9[%swap3A_842] {strides = array<i32>} : memref<1024xi32, #tpu.memory_space<vmem>>, vector<16xi32>,
      %swap3A_844 = vector.shape_cast %swap3A_843 : vector<16xi32> to vector<16xi32>
      %swap3A_845 = vector.shape_cast %select_n3A_773 : vector<16xi32> to vector<16xi32>
      tpu.vector_store %arg9[%swap3A_842], %swap3A_845 {strides = array<i32>} : memref<1024xi32, #tpu.memory_space<vmem>>, vector<16xi32>,
      %scan3A_846 = arith.constant 0 : i32
      %scan3A_847 = arith.constant 3 : i32
      %scan3A_848 = arith.addi %scan3A_55, %scan3A_847 : i32
      %mul3A_849 = arith.constant 16 : i32
      %mul3A_850 = arith.muli %scan3A_848, %mul3A_849 : i32
      %get3A_851 = arith.constant 0 : i32
      %get3A_852 = arith.index_cast %get3A_851 : i32 to index
      %get3A_853 = arith.index_cast %mul3A_850 : i32 to index
      %get3A_854 = tpu.vector_load %arg6[%get3A_852, %get3A_853] {strides = array<i32>} : memref<8x512xf32, #tpu.memory_space<vmem>>, vector<1x16xf32>,
      %get3A_855 = vector.shape_cast %get3A_854 : vector<1x16xf32> to vector<16xf32>
      %mul3A_856 = arith.constant 16 : i32
      %mul3A_857 = arith.muli %scan3A_848, %mul3A_856 : i32
      %get3A_858 = arith.constant 1 : i32
      %get3A_859 = arith.index_cast %get3A_858 : i32 to index
      %get3A_860 = arith.index_cast %mul3A_857 : i32 to index
      %get3A_861 = tpu.vector_load %arg6[%get3A_859, %get3A_860] {strides = array<i32>} : memref<8x512xf32, #tpu.memory_space<vmem>>, vector<1x16xf32>,
      %get3A_862 = vector.shape_cast %get3A_861 : vector<1x16xf32> to vector<16xf32>
      %mul3A_863 = arith.constant 16 : i32
      %mul3A_864 = arith.muli %scan3A_848, %mul3A_863 : i32
      %get3A_865 = arith.constant 2 : i32
      %get3A_866 = arith.index_cast %get3A_865 : i32 to index
      %get3A_867 = arith.index_cast %mul3A_864 : i32 to index
      %get3A_868 = tpu.vector_load %arg6[%get3A_866, %get3A_867] {strides = array<i32>} : memref<8x512xf32, #tpu.memory_space<vmem>>, vector<1x16xf32>,
      %get3A_869 = vector.shape_cast %get3A_868 : vector<1x16xf32> to vector<16xf32>
      %mul3A_870 = arith.constant 16 : i32
      %mul3A_871 = arith.muli %scan3A_848, %mul3A_870 : i32
      %get3A_872 = arith.constant 3 : i32
      %get3A_873 = arith.index_cast %get3A_872 : i32 to index
      %get3A_874 = arith.index_cast %mul3A_871 : i32 to index
      %get3A_875 = tpu.vector_load %arg6[%get3A_873, %get3A_874] {strides = array<i32>} : memref<8x512xf32, #tpu.memory_space<vmem>>, vector<1x16xf32>,
      %get3A_876 = vector.shape_cast %get3A_875 : vector<1x16xf32> to vector<16xf32>
      %mul3A_877 = arith.constant 16 : i32
      %mul3A_878 = arith.muli %scan3A_848, %mul3A_877 : i32
      %get3A_879 = arith.constant 4 : i32
      %get3A_880 = arith.index_cast %get3A_879 : i32 to index
      %get3A_881 = arith.index_cast %mul3A_878 : i32 to index
      %get3A_882 = tpu.vector_load %arg6[%get3A_880, %get3A_881] {strides = array<i32>} : memref<8x512xf32, #tpu.memory_space<vmem>>, vector<1x16xf32>,
      %get3A_883 = vector.shape_cast %get3A_882 : vector<1x16xf32> to vector<16xf32>
      %mul3A_884 = arith.constant 16 : i32
      %mul3A_885 = arith.muli %scan3A_848, %mul3A_884 : i32
      %get3A_886 = arith.constant 5 : i32
      %get3A_887 = arith.index_cast %get3A_886 : i32 to index
      %get3A_888 = arith.index_cast %mul3A_885 : i32 to index
      %get3A_889 = tpu.vector_load %arg6[%get3A_887, %get3A_888] {strides = array<i32>} : memref<8x512xf32, #tpu.memory_space<vmem>>, vector<1x16xf32>,
      %get3A_890 = vector.shape_cast %get3A_889 : vector<1x16xf32> to vector<16xf32>
      %mul3A_891 = arith.constant 16 : i32
      %mul3A_892 = arith.muli %scan3A_848, %mul3A_891 : i32
      %get3A_893 = arith.constant 6 : i32
      %get3A_894 = arith.index_cast %get3A_893 : i32 to index
      %get3A_895 = arith.index_cast %mul3A_892 : i32 to index
      %get3A_896 = tpu.vector_load %arg6[%get3A_894, %get3A_895] {strides = array<i32>} : memref<8x512xf32, #tpu.memory_space<vmem>>, vector<1x16xf32>,
      %get3A_897 = vector.shape_cast %get3A_896 : vector<1x16xf32> to vector<16xf32>
      %mul3A_898 = arith.constant 16 : i32
      %mul3A_899 = arith.muli %scan3A_848, %mul3A_898 : i32
      %get3A_900 = arith.constant 7 : i32
      %get3A_901 = arith.index_cast %get3A_900 : i32 to index
      %get3A_902 = arith.index_cast %mul3A_899 : i32 to index
      %get3A_903 = tpu.vector_load %arg6[%get3A_901, %get3A_902] {strides = array<i32>} : memref<8x512xf32, #tpu.memory_space<vmem>>, vector<1x16xf32>,
      %get3A_904 = vector.shape_cast %get3A_903 : vector<1x16xf32> to vector<16xf32>
      %add3A_905 = arith.addf %get3A_855, %get3A_9 : vector<16xf32>
      %add3A_906 = arith.addf %get3A_862, %get3A_14 : vector<16xf32>
      %add3A_907 = arith.addf %get3A_869, %get3A_19 : vector<16xf32>
      %add3A_908 = arith.addf %get3A_876, %get3A_24 : vector<16xf32>
      %add3A_909 = arith.addf %get3A_883, %get3A_29 : vector<16xf32>
      %add3A_910 = arith.addf %get3A_890, %get3A_34 : vector<16xf32>
      %add3A_911 = arith.addf %get3A_897, %get3A_39 : vector<16xf32>
      %add3A_912 = arith.addf %get3A_904, %get3A_44 : vector<16xf32>
      %max3A_913 = arith.maximumf %add3A_905, %add3A_906 : vector<16xf32>
      %max3A_914 = arith.maximumf %max3A_913, %add3A_907 : vector<16xf32>
      %max3A_915 = arith.maximumf %max3A_914, %add3A_908 : vector<16xf32>
      %max3A_916 = arith.maximumf %max3A_915, %add3A_909 : vector<16xf32>
      %max3A_917 = arith.maximumf %max3A_916, %add3A_910 : vector<16xf32>
      %max3A_918 = arith.maximumf %max3A_917, %add3A_911 : vector<16xf32>
      %max3A_919 = arith.maximumf %max3A_918, %add3A_912 : vector<16xf32>
      %eq3A_920 = arith.cmpf oeq, %add3A_905, %max3A_919 : vector<16xf32>
      %eq3A_921 = arith.cmpf oeq, %add3A_906, %max3A_919 : vector<16xf32>
      %eq3A_922 = arith.cmpf oeq, %add3A_907, %max3A_919 : vector<16xf32>
      %eq3A_923 = arith.cmpf oeq, %add3A_908, %max3A_919 : vector<16xf32>
      %eq3A_924 = arith.cmpf oeq, %add3A_909, %max3A_919 : vector<16xf32>
      %eq3A_925 = arith.cmpf oeq, %add3A_910, %max3A_919 : vector<16xf32>
      %eq3A_926 = arith.cmpf oeq, %add3A_911, %max3A_919 : vector<16xf32>
      %eq3A_927 = arith.cmpf oeq, %add3A_912, %max3A_919 : vector<16xf32>
      %broadcast_in_dim3A_928 = arith.constant 8 : i32
      %broadcast_in_dim3A_929 = vector.broadcast %broadcast_in_dim3A_928 : i32 to vector<16xi32>
      %broadcast_in_dim3A_930 = arith.constant 7 : i32
      %broadcast_in_dim3A_931 = vector.broadcast %broadcast_in_dim3A_930 : i32 to vector<16xi32>
      %select_n3A_932 = arith.select %eq3A_927, %broadcast_in_dim3A_931, %broadcast_in_dim3A_929 : vector<16xi1>, vector<16xi32>
      %select_n3A_933 = arith.select %eq3A_927, %get3A_904, %broadcast_in_dim3A_5 : vector<16xi1>, vector<16xf32>
      %broadcast_in_dim3A_934 = arith.constant 6 : i32
      %broadcast_in_dim3A_935 = vector.broadcast %broadcast_in_dim3A_934 : i32 to vector<16xi32>
      %select_n3A_936 = arith.select %eq3A_926, %broadcast_in_dim3A_935, %select_n3A_932 : vector<16xi1>, vector<16xi32>
      %select_n3A_937 = arith.select %eq3A_926, %get3A_897, %select_n3A_933 : vector<16xi1>, vector<16xf32>
      %broadcast_in_dim3A_938 = arith.constant 5 : i32
      %broadcast_in_dim3A_939 = vector.broadcast %broadcast_in_dim3A_938 : i32 to vector<16xi32>
      %select_n3A_940 = arith.select %eq3A_925, %broadcast_in_dim3A_939, %select_n3A_936 : vector<16xi1>, vector<16xi32>
      %select_n3A_941 = arith.select %eq3A_925, %get3A_890, %select_n3A_937 : vector<16xi1>, vector<16xf32>
      %broadcast_in_dim3A_942 = arith.constant 4 : i32
      %broadcast_in_dim3A_943 = vector.broadcast %broadcast_in_dim3A_942 : i32 to vector<16xi32>
      %select_n3A_944 = arith.select %eq3A_924, %broadcast_in_dim3A_943, %select_n3A_940 : vector<16xi1>, vector<16xi32>
      %select_n3A_945 = arith.select %eq3A_924, %get3A_883, %select_n3A_941 : vector<16xi1>, vector<16xf32>
      %broadcast_in_dim3A_946 = arith.constant 3 : i32
      %broadcast_in_dim3A_947 = vector.broadcast %broadcast_in_dim3A_946 : i32 to vector<16xi32>
      %select_n3A_948 = arith.select %eq3A_923, %broadcast_in_dim3A_947, %select_n3A_944 : vector<16xi1>, vector<16xi32>
      %select_n3A_949 = arith.select %eq3A_923, %get3A_876, %select_n3A_945 : vector<16xi1>, vector<16xf32>
      %broadcast_in_dim3A_950 = arith.constant 2 : i32
      %broadcast_in_dim3A_951 = vector.broadcast %broadcast_in_dim3A_950 : i32 to vector<16xi32>
      %select_n3A_952 = arith.select %eq3A_922, %broadcast_in_dim3A_951, %select_n3A_948 : vector<16xi1>, vector<16xi32>
      %select_n3A_953 = arith.select %eq3A_922, %get3A_869, %select_n3A_949 : vector<16xi1>, vector<16xf32>
      %broadcast_in_dim3A_954 = arith.constant 1 : i32
      %broadcast_in_dim3A_955 = vector.broadcast %broadcast_in_dim3A_954 : i32 to vector<16xi32>
      %select_n3A_956 = arith.select %eq3A_921, %broadcast_in_dim3A_955, %select_n3A_952 : vector<16xi1>, vector<16xi32>
      %select_n3A_957 = arith.select %eq3A_921, %get3A_862, %select_n3A_953 : vector<16xi1>, vector<16xf32>
      %broadcast_in_dim3A_958 = arith.constant 0 : i32
      %broadcast_in_dim3A_959 = vector.broadcast %broadcast_in_dim3A_958 : i32 to vector<16xi32>
      %select_n3A_960 = arith.select %eq3A_920, %broadcast_in_dim3A_959, %select_n3A_956 : vector<16xi1>, vector<16xi32>
      %select_n3A_961 = arith.select %eq3A_920, %get3A_855, %select_n3A_957 : vector<16xi1>, vector<16xf32>
      %eq3A_962 = arith.constant 0 : i32
      %eq3A_963 = vector.broadcast %eq3A_962 : i32 to vector<16xi32>
      %eq3A_964 = arith.cmpi eq, %select_n3A_960, %eq3A_963 : vector<16xi32>
      %select_n3A_965 = arith.select %eq3A_964, %broadcast_in_dim3A_3, %add3A_905 : vector<16xi1>, vector<16xf32>
      %eq3A_966 = arith.constant 1 : i32
      %eq3A_967 = vector.broadcast %eq3A_966 : i32 to vector<16xi32>
      %eq3A_968 = arith.cmpi eq, %select_n3A_960, %eq3A_967 : vector<16xi32>
      %select_n3A_969 = arith.select %eq3A_968, %broadcast_in_dim3A_3, %add3A_906 : vector<16xi1>, vector<16xf32>
      %eq3A_970 = arith.constant 2 : i32
      %eq3A_971 = vector.broadcast %eq3A_970 : i32 to vector<16xi32>
      %eq3A_972 = arith.cmpi eq, %select_n3A_960, %eq3A_971 : vector<16xi32>
      %select_n3A_973 = arith.select %eq3A_972, %broadcast_in_dim3A_3, %add3A_907 : vector<16xi1>, vector<16xf32>
      %eq3A_974 = arith.constant 3 : i32
      %eq3A_975 = vector.broadcast %eq3A_974 : i32 to vector<16xi32>
      %eq3A_976 = arith.cmpi eq, %select_n3A_960, %eq3A_975 : vector<16xi32>
      %select_n3A_977 = arith.select %eq3A_976, %broadcast_in_dim3A_3, %add3A_908 : vector<16xi1>, vector<16xf32>
      %eq3A_978 = arith.constant 4 : i32
      %eq3A_979 = vector.broadcast %eq3A_978 : i32 to vector<16xi32>
      %eq3A_980 = arith.cmpi eq, %select_n3A_960, %eq3A_979 : vector<16xi32>
      %select_n3A_981 = arith.select %eq3A_980, %broadcast_in_dim3A_3, %add3A_909 : vector<16xi1>, vector<16xf32>
      %eq3A_982 = arith.constant 5 : i32
      %eq3A_983 = vector.broadcast %eq3A_982 : i32 to vector<16xi32>
      %eq3A_984 = arith.cmpi eq, %select_n3A_960, %eq3A_983 : vector<16xi32>
      %select_n3A_985 = arith.select %eq3A_984, %broadcast_in_dim3A_3, %add3A_910 : vector<16xi1>, vector<16xf32>
      %eq3A_986 = arith.constant 6 : i32
      %eq3A_987 = vector.broadcast %eq3A_986 : i32 to vector<16xi32>
      %eq3A_988 = arith.cmpi eq, %select_n3A_960, %eq3A_987 : vector<16xi32>
      %select_n3A_989 = arith.select %eq3A_988, %broadcast_in_dim3A_3, %add3A_911 : vector<16xi1>, vector<16xf32>
      %eq3A_990 = arith.constant 7 : i32
      %eq3A_991 = vector.broadcast %eq3A_990 : i32 to vector<16xi32>
      %eq3A_992 = arith.cmpi eq, %select_n3A_960, %eq3A_991 : vector<16xi32>
      %select_n3A_993 = arith.select %eq3A_992, %broadcast_in_dim3A_3, %add3A_912 : vector<16xi1>, vector<16xf32>
      %max3A_994 = arith.maximumf %select_n3A_965, %select_n3A_969 : vector<16xf32>
      %max3A_995 = arith.maximumf %max3A_994, %select_n3A_973 : vector<16xf32>
      %max3A_996 = arith.maximumf %max3A_995, %select_n3A_977 : vector<16xf32>
      %max3A_997 = arith.maximumf %max3A_996, %select_n3A_981 : vector<16xf32>
      %max3A_998 = arith.maximumf %max3A_997, %select_n3A_985 : vector<16xf32>
      %max3A_999 = arith.maximumf %max3A_998, %select_n3A_989 : vector<16xf32>
      %max3A_1000 = arith.maximumf %max3A_999, %select_n3A_993 : vector<16xf32>
      %eq3A_1001 = arith.cmpf oeq, %select_n3A_965, %max3A_1000 : vector<16xf32>
      %eq3A_1002 = arith.cmpf oeq, %select_n3A_969, %max3A_1000 : vector<16xf32>
      %eq3A_1003 = arith.cmpf oeq, %select_n3A_973, %max3A_1000 : vector<16xf32>
      %eq3A_1004 = arith.cmpf oeq, %select_n3A_977, %max3A_1000 : vector<16xf32>
      %eq3A_1005 = arith.cmpf oeq, %select_n3A_981, %max3A_1000 : vector<16xf32>
      %eq3A_1006 = arith.cmpf oeq, %select_n3A_985, %max3A_1000 : vector<16xf32>
      %eq3A_1007 = arith.cmpf oeq, %select_n3A_989, %max3A_1000 : vector<16xf32>
      %eq3A_1008 = arith.cmpf oeq, %select_n3A_993, %max3A_1000 : vector<16xf32>
      %broadcast_in_dim3A_1009 = arith.constant 8 : i32
      %broadcast_in_dim3A_1010 = vector.broadcast %broadcast_in_dim3A_1009 : i32 to vector<16xi32>
      %broadcast_in_dim3A_1011 = arith.constant 7 : i32
      %broadcast_in_dim3A_1012 = vector.broadcast %broadcast_in_dim3A_1011 : i32 to vector<16xi32>
      %select_n3A_1013 = arith.select %eq3A_1008, %broadcast_in_dim3A_1012, %broadcast_in_dim3A_1010 : vector<16xi1>, vector<16xi32>
      %select_n3A_1014 = arith.select %eq3A_1008, %get3A_904, %broadcast_in_dim3A_5 : vector<16xi1>, vector<16xf32>
      %broadcast_in_dim3A_1015 = arith.constant 6 : i32
      %broadcast_in_dim3A_1016 = vector.broadcast %broadcast_in_dim3A_1015 : i32 to vector<16xi32>
      %select_n3A_1017 = arith.select %eq3A_1007, %broadcast_in_dim3A_1016, %select_n3A_1013 : vector<16xi1>, vector<16xi32>
      %select_n3A_1018 = arith.select %eq3A_1007, %get3A_897, %select_n3A_1014 : vector<16xi1>, vector<16xf32>
      %broadcast_in_dim3A_1019 = arith.constant 5 : i32
      %broadcast_in_dim3A_1020 = vector.broadcast %broadcast_in_dim3A_1019 : i32 to vector<16xi32>
      %select_n3A_1021 = arith.select %eq3A_1006, %broadcast_in_dim3A_1020, %select_n3A_1017 : vector<16xi1>, vector<16xi32>
      %select_n3A_1022 = arith.select %eq3A_1006, %get3A_890, %select_n3A_1018 : vector<16xi1>, vector<16xf32>
      %broadcast_in_dim3A_1023 = arith.constant 4 : i32
      %broadcast_in_dim3A_1024 = vector.broadcast %broadcast_in_dim3A_1023 : i32 to vector<16xi32>
      %select_n3A_1025 = arith.select %eq3A_1005, %broadcast_in_dim3A_1024, %select_n3A_1021 : vector<16xi1>, vector<16xi32>
      %select_n3A_1026 = arith.select %eq3A_1005, %get3A_883, %select_n3A_1022 : vector<16xi1>, vector<16xf32>
      %broadcast_in_dim3A_1027 = arith.constant 3 : i32
      %broadcast_in_dim3A_1028 = vector.broadcast %broadcast_in_dim3A_1027 : i32 to vector<16xi32>
      %select_n3A_1029 = arith.select %eq3A_1004, %broadcast_in_dim3A_1028, %select_n3A_1025 : vector<16xi1>, vector<16xi32>
      %select_n3A_1030 = arith.select %eq3A_1004, %get3A_876, %select_n3A_1026 : vector<16xi1>, vector<16xf32>
      %broadcast_in_dim3A_1031 = arith.constant 2 : i32
      %broadcast_in_dim3A_1032 = vector.broadcast %broadcast_in_dim3A_1031 : i32 to vector<16xi32>
      %select_n3A_1033 = arith.select %eq3A_1003, %broadcast_in_dim3A_1032, %select_n3A_1029 : vector<16xi1>, vector<16xi32>
      %select_n3A_1034 = arith.select %eq3A_1003, %get3A_869, %select_n3A_1030 : vector<16xi1>, vector<16xf32>
      %broadcast_in_dim3A_1035 = arith.constant 1 : i32
      %broadcast_in_dim3A_1036 = vector.broadcast %broadcast_in_dim3A_1035 : i32 to vector<16xi32>
      %select_n3A_1037 = arith.select %eq3A_1002, %broadcast_in_dim3A_1036, %select_n3A_1033 : vector<16xi1>, vector<16xi32>
      %select_n3A_1038 = arith.select %eq3A_1002, %get3A_862, %select_n3A_1034 : vector<16xi1>, vector<16xf32>
      %broadcast_in_dim3A_1039 = arith.constant 0 : i32
      %broadcast_in_dim3A_1040 = vector.broadcast %broadcast_in_dim3A_1039 : i32 to vector<16xi32>
      %select_n3A_1041 = arith.select %eq3A_1001, %broadcast_in_dim3A_1040, %select_n3A_1037 : vector<16xi1>, vector<16xi32>
      %select_n3A_1042 = arith.select %eq3A_1001, %get3A_855, %select_n3A_1038 : vector<16xi1>, vector<16xf32>
      %add3A_1043 = arith.addf %select_n3A_961, %select_n3A_1042 : vector<16xf32>
      %div3A_1044 = arith.constant 1.000000e+00 : f32
      %div3A_1045 = vector.broadcast %div3A_1044 : f32 to vector<16xf32>
      %div3A_1046 = arith.divf %div3A_1045, %add3A_1043 : vector<16xf32>
      %jit3A_1047 = arith.constant 8 : i32
      %div3A_1048 = arith.divsi %scan3A_848, %jit3A_1047 : i32
      %sign3A_1049 = arith.constant 0 : i32
      %sign3A_1050 = arith.cmpi sgt, %scan3A_848, %sign3A_1049 : i32
      %sign3A_1051 = arith.extui %sign3A_1050 : i1 to i32
      %sign3A_1052 = arith.constant 0 : i32
      %sign3A_1053 = arith.cmpi slt, %scan3A_848, %sign3A_1052 : i32
      %sign3A_1054 = arith.extui %sign3A_1053 : i1 to i32
      %sign3A_1055 = arith.subi %sign3A_1051, %sign3A_1054 : i32
      %sign3A_1056 = arith.constant 0 : i32
      %sign3A_1057 = arith.cmpi sgt, %jit3A_1047, %sign3A_1056 : i32
      %sign3A_1058 = arith.extui %sign3A_1057 : i1 to i32
      %sign3A_1059 = arith.constant 0 : i32
      %sign3A_1060 = arith.cmpi slt, %jit3A_1047, %sign3A_1059 : i32
      %sign3A_1061 = arith.extui %sign3A_1060 : i1 to i32
      %sign3A_1062 = arith.subi %sign3A_1058, %sign3A_1061 : i32
      %ne3A_1063 = arith.cmpi ne, %sign3A_1055, %sign3A_1062 : i32
      %rem3A_1064 = arith.remsi %scan3A_848, %jit3A_1047 : i32
      %ne3A_1065 = arith.constant 0 : i32
      %ne3A_1066 = arith.cmpi ne, %rem3A_1064, %ne3A_1065 : i32
      %and3A_1067 = arith.andi %ne3A_1063, %ne3A_1066 : i1
      %sub3A_1068 = arith.constant 1 : i32
      %sub3A_1069 = arith.subi %div3A_1048, %sub3A_1068 : i32
      %select_n3A_1070 = arith.select %and3A_1067, %sub3A_1069, %div3A_1048 : i32
      %mul3A_1071 = arith.constant 256 : i32
      %mul3A_1072 = arith.muli %select_n3A_1070, %mul3A_1071 : i32
      %jit3A_1073 = arith.constant 8 : i32
      %eq3A_1074 = arith.constant 0 : i32
      %eq3A_1075 = arith.cmpi eq, %jit3A_1073, %eq3A_1074 : i32
      %jit3A_1076 = arith.constant 1 : i32
      %select_n3A_1077 = arith.select %eq3A_1075, %jit3A_1076, %jit3A_1073 : i32
      %rem3A_1078 = arith.remsi %scan3A_848, %select_n3A_1077 : i32
      %ne3A_1079 = arith.constant 0 : i32
      %ne3A_1080 = arith.cmpi ne, %rem3A_1078, %ne3A_1079 : i32
      %lt3A_1081 = arith.constant 0 : i32
      %lt3A_1082 = arith.cmpi slt, %rem3A_1078, %lt3A_1081 : i32
      %lt3A_1083 = arith.constant 0 : i32
      %lt3A_1084 = arith.cmpi slt, %select_n3A_1077, %lt3A_1083 : i32
      %ne3A_1085 = arith.xori %lt3A_1082, %lt3A_1084 : i1
      %and3A_1086 = arith.andi %ne3A_1085, %ne3A_1080 : i1
      %add3A_1087 = arith.addi %rem3A_1078, %select_n3A_1077 : i32
      %select_n3A_1088 = arith.select %and3A_1086, %add3A_1087, %rem3A_1078 : i32
      %mul3A_1089 = arith.constant 16 : i32
      %mul3A_1090 = arith.muli %select_n3A_1088, %mul3A_1089 : i32
      %add3A_1091 = arith.addi %mul3A_1072, %mul3A_1090 : i32
      %mul3A_1092 = arith.mulf %select_n3A_961, %div3A_1046 : vector<16xf32>
      %swap3A_1093 = arith.index_cast %add3A_1091 : i32 to index
      %swap3A_1094 = tpu.vector_load %arg8[%swap3A_1093] {strides = array<i32>} : memref<1024xf32, #tpu.memory_space<vmem>>, vector<16xf32>,
      %swap3A_1095 = vector.shape_cast %swap3A_1094 : vector<16xf32> to vector<16xf32>
      %swap3A_1096 = vector.shape_cast %mul3A_1092 : vector<16xf32> to vector<16xf32>
      tpu.vector_store %arg8[%swap3A_1093], %swap3A_1096 {strides = array<i32>} : memref<1024xf32, #tpu.memory_space<vmem>>, vector<16xf32>,
      %mul3A_1097 = arith.mulf %select_n3A_1042, %div3A_1046 : vector<16xf32>
      %add3A_1098 = arith.constant 128 : i32
      %add3A_1099 = arith.addi %add3A_1091, %add3A_1098 : i32
      %swap3A_1100 = arith.index_cast %add3A_1099 : i32 to index
      %swap3A_1101 = tpu.vector_load %arg8[%swap3A_1100] {strides = array<i32>} : memref<1024xf32, #tpu.memory_space<vmem>>, vector<16xf32>,
      %swap3A_1102 = vector.shape_cast %swap3A_1101 : vector<16xf32> to vector<16xf32>
      %swap3A_1103 = vector.shape_cast %mul3A_1097 : vector<16xf32> to vector<16xf32>
      tpu.vector_store %arg8[%swap3A_1100], %swap3A_1103 {strides = array<i32>} : memref<1024xf32, #tpu.memory_space<vmem>>, vector<16xf32>,
      %swap3A_1104 = arith.index_cast %add3A_1091 : i32 to index
      %swap3A_1105 = tpu.vector_load %arg9[%swap3A_1104] {strides = array<i32>} : memref<1024xi32, #tpu.memory_space<vmem>>, vector<16xi32>,
      %swap3A_1106 = vector.shape_cast %swap3A_1105 : vector<16xi32> to vector<16xi32>
      %swap3A_1107 = vector.shape_cast %select_n3A_960 : vector<16xi32> to vector<16xi32>
      tpu.vector_store %arg9[%swap3A_1104], %swap3A_1107 {strides = array<i32>} : memref<1024xi32, #tpu.memory_space<vmem>>, vector<16xi32>,
      %add3A_1108 = arith.constant 128 : i32
      %add3A_1109 = arith.addi %add3A_1091, %add3A_1108 : i32
      %swap3A_1110 = arith.index_cast %add3A_1109 : i32 to index
      %swap3A_1111 = tpu.vector_load %arg9[%swap3A_1110] {strides = array<i32>} : memref<1024xi32, #tpu.memory_space<vmem>>, vector<16xi32>,
      %swap3A_1112 = vector.shape_cast %swap3A_1111 : vector<16xi32> to vector<16xi32>
      %swap3A_1113 = vector.shape_cast %select_n3A_1041 : vector<16xi32> to vector<16xi32>
      tpu.vector_store %arg9[%swap3A_1110], %swap3A_1113 {strides = array<i32>} : memref<1024xi32, #tpu.memory_space<vmem>>, vector<16xi32>,
      %scan3A_1114 = arith.constant 0 : i32
      scf.yield %scan3A_1114 : i32
    }
    %scan3A_50 = arith.constant 32 : i32
    %mul3A_51 = arith.constant 2 : i32
    %mul3A_52 = arith.muli %mul3A_51, %mul3A_2 : i32
    "tpu.region"() ({
      %run_scoped3A = tpu.sem_alloc : memref<!tpu.dma_semaphore, #tpu.memory_space<semaphore_mem>>
      %dma_start3A = tpu.memref_slice %arg4[%mul3A_52] : memref<32768xf32, #tpu.memory_space<hbm>> -> memref<1024xf32, #tpu.memory_space<hbm>>
      %dma_start3A_55 = tpu.memref_slice %arg4[%mul3A_52] : memref<32768xf32, #tpu.memory_space<hbm>> -> memref<1024xf32, #tpu.memory_space<hbm>>
      tpu.enqueue_dma source(%arg8 : memref<1024xf32, #tpu.memory_space<vmem>>) target(%dma_start3A_55 : memref<1024xf32, #tpu.memory_space<hbm>>) target_semaphore(%run_scoped3A : memref<!tpu.dma_semaphore, #tpu.memory_space<semaphore_mem>>)
      %dma_wait3A = tpu.memref_slice %arg4[%mul3A_52] : memref<32768xf32, #tpu.memory_space<hbm>> -> memref<1024xf32, #tpu.memory_space<hbm>>
      %dma_wait3A_56 = tpu.memref_slice %arg4[%mul3A_52] : memref<32768xf32, #tpu.memory_space<hbm>> -> memref<1024xf32, #tpu.memory_space<hbm>>
      tpu.wait_dma2 semaphore(%run_scoped3A : memref<!tpu.dma_semaphore, #tpu.memory_space<semaphore_mem>>) src(%arg8 : memref<1024xf32, #tpu.memory_space<vmem>>) dst(%dma_wait3A_56 : memref<1024xf32, #tpu.memory_space<hbm>>)
      tpu.yield
    }) : () -> ()
    %mul3A_53 = arith.constant 2 : i32
    %mul3A_54 = arith.muli %mul3A_53, %mul3A_2 : i32
    "tpu.region"() ({
      %run_scoped3A = tpu.sem_alloc : memref<!tpu.dma_semaphore, #tpu.memory_space<semaphore_mem>>
      %dma_start3A = tpu.memref_slice %arg5[%mul3A_54] : memref<32768xi32, #tpu.memory_space<hbm>> -> memref<1024xi32, #tpu.memory_space<hbm>>
      %dma_start3A_55 = tpu.memref_slice %arg5[%mul3A_54] : memref<32768xi32, #tpu.memory_space<hbm>> -> memref<1024xi32, #tpu.memory_space<hbm>>
      tpu.enqueue_dma source(%arg9 : memref<1024xi32, #tpu.memory_space<vmem>>) target(%dma_start3A_55 : memref<1024xi32, #tpu.memory_space<hbm>>) target_semaphore(%run_scoped3A : memref<!tpu.dma_semaphore, #tpu.memory_space<semaphore_mem>>)
      %dma_wait3A = tpu.memref_slice %arg5[%mul3A_54] : memref<32768xi32, #tpu.memory_space<hbm>> -> memref<1024xi32, #tpu.memory_space<hbm>>
      %dma_wait3A_56 = tpu.memref_slice %arg5[%mul3A_54] : memref<32768xi32, #tpu.memory_space<hbm>> -> memref<1024xi32, #tpu.memory_space<hbm>>
      tpu.wait_dma2 semaphore(%run_scoped3A : memref<!tpu.dma_semaphore, #tpu.memory_space<semaphore_mem>>) src(%arg9 : memref<1024xi32, #tpu.memory_space<vmem>>) dst(%dma_wait3A_56 : memref<1024xi32, #tpu.memory_space<hbm>>)
      tpu.yield
    }) : () -> ()
    return
  }
}

module attributes {stable_mosaic.version = 14 : i64} {
  func.func @_scores_kernel(%arg0: i32, %arg1: memref<512x4096xf32, #tpu.memory_space<vmem>>, %arg2: memref<8x4096xf32, #tpu.memory_space<vmem>>, %arg3: memref<8x512xf32, #tpu.memory_space<vmem>>) attributes {dimension_semantics = [#tpu.dimension_semantics<arbitrary>], iteration_bounds = array<i64: 32>, scalar_prefetch = 0 : i64, scratch_operands = 0 : i64, tpu.core_type = #tpu.core_type<tc>, window_params = [{transform_indices = @transform_0, window_bounds = array<i64: 512, 4096>}, {pipeline_mode = #tpu.pipeline_mode<synchronous>, transform_indices = @transform_1, window_bounds = array<i64: 8, 4096>}, {transform_indices = @transform_2, window_bounds = array<i64: 8, 512>}]} {
    %get3A = arith.constant 0 : index
    %get3A_0 = arith.constant 0 : index
    %get3A_1 = vector.load %arg1[%get3A, %get3A_0] : memref<512x4096xf32, #tpu.memory_space<vmem>>, vector<512x4096xf32>
    %get3A_2 = arith.constant 0 : index
    %get3A_3 = arith.constant 0 : index
    %get3A_4 = vector.load %arg2[%get3A_2, %get3A_3] : memref<8x4096xf32, #tpu.memory_space<vmem>>, vector<8x4096xf32>
    %dot_general3A = arith.constant dense<0.000000e+00> : vector<8x512xf32>
    %dot_general3A_5 = tpu.matmul %get3A_4, %get3A_1, %dot_general3A {dimension_numbers = #tpu.dot_dimension_numbers<[1], [1], [0], [0], [0, 0, 1, 0], [], []>, transpose_lhs_hint = false} : vector<8x4096xf32>, vector<512x4096xf32>, vector<8x512xf32> -> vector<8x512xf32>
    %custom_jvp_call3A = arith.constant 0.000000e+00 : f32
    %max3A = vector.broadcast %custom_jvp_call3A : f32 to vector<8x512xf32>
    %max3A_6 = arith.maximumf %dot_general3A_5, %max3A : vector<8x512xf32>
    %sub3A = vector.broadcast %custom_jvp_call3A : f32 to vector<8x512xf32>
    %sub3A_7 = arith.subf %dot_general3A_5, %sub3A : vector<8x512xf32>
    %ne3A = arith.cmpf one, %sub3A_7, %sub3A_7 : vector<8x512xf32>
    %add3A = vector.broadcast %custom_jvp_call3A : f32 to vector<8x512xf32>
    %add3A_8 = arith.addf %dot_general3A_5, %add3A : vector<8x512xf32>
    %abs3A = math.absf %sub3A_7 : vector<8x512xf32>
    %neg3A = arith.constant 0.000000e+00 : f32
    %neg3A_9 = vector.broadcast %neg3A : f32 to vector<8x512xf32>
    %neg3A_10 = arith.subf %neg3A_9, %abs3A : vector<8x512xf32>
    %exp3A = math.exp %neg3A_10 : vector<8x512xf32>
    %log1p3A = math.log1p %exp3A : vector<8x512xf32>
    %add3A_11 = arith.addf %max3A_6, %log1p3A : vector<8x512xf32>
    %select_n3A = arith.select %ne3A, %add3A_8, %add3A_11 : vector<8x512xi1>, vector<8x512xf32>
    %sqrt3A = math.sqrt %select_n3A : vector<8x512xf32>
    %swap3A = arith.constant 0 : index
    %swap3A_12 = arith.constant 0 : index
    %swap3A_13 = vector.load %arg3[%swap3A, %swap3A_12] : memref<8x512xf32, #tpu.memory_space<vmem>>, vector<8x512xf32>
    tpu.vector_store %arg3[%swap3A, %swap3A_12], %sqrt3A {strides = array<i32>} : memref<8x512xf32, #tpu.memory_space<vmem>>, vector<8x512xf32>,
    return
  }
  func.func @transform_0(%arg0: i32) -> (i32, i32) {
    %add3A = arith.constant 0 : i32
    %add3A_0 = arith.addi %add3A, %arg0 : i32
    %c0_i32 = arith.constant 0 : i32
    %c0_i32_1 = arith.constant 0 : i32
    return %add3A_0, %c0_i32 : i32, i32
  }
  func.func @transform_1(%arg0: i32) -> (i32, i32) {
    %c0_i32 = arith.constant 0 : i32
    %c0_i32_0 = arith.constant 0 : i32
    %c0_i32_1 = arith.constant 0 : i32
    return %c0_i32, %c0_i32_0 : i32, i32
  }
  func.func @transform_2(%arg0: i32) -> (i32, i32) {
    %c0_i32 = arith.constant 0 : i32
    %c0_i32_0 = arith.constant 0 : i32
    return %c0_i32, %arg0 : i32, i32
  }
}

</mosaic_0001>

<sc_bundles>
// kernel: kernel.4.cloned.1.call-start
scs
__scs_entry_jumppad:
0x0: {  	(pc) =	sbr.rel $0x88, $3  }
0x1: {  	(tag) =	ssettag $0x0;
	lr =	simm.s32 $0x1  }
0x2: {  	[smem:$0x3F9E] =	sst lr;
	_ =	strace $0xD0000000  }
0x3: {  	_ = 	snop  }
0x4: {  	_ = 	snop  }
0x5: {  	_ = 	snop  }
0x6: {  	_ = 	snop  }
0x7: {  	_ = 	snop  }
__scs_overlays_trampoline_lowered:
0x8: {  	[smem:$0x3FAD] =	sst s0  }
0x9: {  	[smem:$0x3FAE] =	sst s1  }
0xa: {  	[smem:$0x3FAF] =	sst s2  }
0xb: {  	[smem:$0x3FB0] =	sst s3  }
0xc: {  	[smem:$0x3FB1] =	sst s4  }
0xd: {  	[smem:$0x3FB2] =	sst s5  }
0xe: {  	[smem:$0x3FB3] =	sst s6  }
0xf: {  	[smem:$0x3FB4] =	sst s7  }
0x10: {  	[smem:$0x3FB5] =	sst s8  }
0x11: {  	[smem:$0x3FB6] =	sst s9;
	s0 =	simm.s32 @!p0 $0x0  }
0x12: {  	s1 =	sld [smem:$0x3F9C];
	s0 =	simm.s32 @p0 $0x1  }
0x13: {  	[smem:$0x3FB7] =	sst s0;
	s0 =	simm.s32 @!p1 $0x0  }
0x14: {  	s2 =	sld [smem:$0x3F9B];
	s0 =	simm.s32 @p1 $0x1  }
0x15: {  	[smem:$0x3FB8] =	sst s0;
	s0 =	simm.s32 @!p2 $0x0  }
0x16: {  	s3 =	sld [smem:$0x3FDB];
	s0 =	simm.s32 @p2 $0x1  }
0x17: {  	s4 =	simm.s32 $0x1BF5;
	[smem:$0x3FBA] =	sst s0  }
0x18: {  	s0 =	sld [smem:$0x3F9D];
	_ =	swait.ge [sflag:s4], $0x0  }
0x19: {  	s7 =	sld [smem:$0x3F9E]  }
0x1a: {  	s8 =	sadd.s32 $0xFFFFE003, lr  }
0x1b: {  	s9 =	sadd.s32 $0xFFFFFEF7, lr;
	s5 =	simm.s32 $0xFFFFFFFF;
	p2 =	slt.u32 s8, $0xFFFFF086  }
0x1c: {  	p1 =	slt.u32 s9, $0xF7A;
	s5 =	simm.s32 @!p2 $0x0  }
0x1d: {  	s5 =	simm.s32 @p1 $0x1;
	p0 =	seq.s32 s7, s2  }
0x1e: {  	s7 =	smul.u32 @!p0 $0xF7A, s2;
	p2 =	seq.s32 @!p0 s5, $0x0  }
0x1f: {  	s9 =	smul.u32 $0xF7A, s1;
	s8 =	simm.s32 @!p0 $0x1BF5;
	p2 =	por !p2, p0  }
0x20: {  	[sflag:s8] =	ssyncset.s32 @!p0 $0xFFFFF086;
	s6 =	sadd.s32 @!p0 s3, s7;
	s7 =	simm.s32 @!p0 $0x108  }
0x21: {  	s3 =	sadd.s32 s3, s9;
	s6 =	sadd.s32 @!p0 $0x88, s6;
	s7 =	simm.s32 @p2 $0x1082  }
0x22: {  	[simem:s7], [sflag:s8] =	dma.local @!p0 [hbm:s6], $0xF7A  }
0x23: {  	s9 =	sor.u32 $0xD0000000, s2;
	s6 =	simm.s32 $0x108;
	_ =	swait.ge @!p0 [sflag:s8], $0x0  }
0x24: {  	s3 =	sadd.s32 $0x88, s3;
	s6 =	simm.s32 @!p1 $0x1082;
	[sflag:s4] =	ssyncset.s32 $0xFFFFF086  }
0x25: {  	[simem:s6], [sflag:s4] =	dma.local [hbm:s3], $0xF7A  }
0x26: {  	[smem:$0x3F9E] =	sst s1;
	(tag) =	ssettag s2;
	_ =	strace s9  }
0x27: {  	s1 =	sld [smem:$0x3FAE]  }
0x28: {  	s2 =	sld [smem:$0x3FAF]  }
0x29: {  	s4 =	sld [smem:$0x3FB1]  }
0x2a: {  	p0 =	seq.s32 s5, $0x0;
	s5 =	sld [smem:$0x3FB2]  }
0x2b: {  	s6 =	sld [smem:$0x3FB3]  }
0x2c: {  	s7 =	sld [smem:$0x3FB4]  }
0x2d: {  	s3 =	simm.s32 $0x108;
	s8 =	sld [smem:$0x3FB5]  }
0x2e: {  	s3 =	simm.s32 @!p0 $0x1082;
	s9 =	sld [smem:$0x3FB6]  }
0x2f: {  	lr =	sadd.s32 s0, s3;
	s0 =	sld [smem:$0x3FAD]  }
0x30: {  	s3 =	sld [smem:$0x3FB0]  }
0x31: {  	[smem:$0x3FB9] =	sst s10  }
0x32: {  	s10 =	sld [smem:$0x3FB7];
	_ =	sdelay $0x3  }
0x33: {  	p0 =	seq.s32 s10, $0x1;
	s10 =	sld [smem:$0x3FB9];
	_ =	sdelay $0x3  }
0x34: {  	[smem:$0x3FB9] =	sst s10  }
0x35: {  	s10 =	sld [smem:$0x3FB8];
	_ =	sdelay $0x3  }
0x36: {  	p1 =	seq.s32 s10, $0x1;
	s10 =	sld [smem:$0x3FB9];
	_ =	sdelay $0x3  }
0x37: {  	[smem:$0x3FB9] =	sst s10  }
0x38: {  	s10 =	sld [smem:$0x3FBA]  }
0x39: {  	_ = 	snop;
	(pc) =	sbr.ind lr, $3  }
0x3a: {  	_ = 	snop  }
0x3b: {  	_ = 	snop  }
0x3c: {  	p2 =	seq.s32 s10, $0x1;
	s10 =	sld [smem:$0x3FB9]  }
0x3d: {  	_ =	shalt  }
0x3e: {  	_ =	shalt  }
0x3f: {  	_ =	shalt  }
0x40: {  	_ =	shalt  }
0x41: {  	_ =	shalt  }
0x42: {  	_ =	shalt  }
0x43: {  	_ =	shalt  }
0x44: {  	_ =	shalt  }
0x45: {  	_ =	shalt  }
0x46: {  	_ =	shalt  }
0x47: {  	_ =	shalt  }
0x48: {  	_ =	shalt  }
0x49: {  	_ =	shalt  }
0x4a: {  	_ =	shalt  }
0x4b: {  	_ =	shalt  }
0x4c: {  	_ =	shalt  }
0x4d: {  	_ =	shalt  }
0x4e: {  	_ =	shalt  }
0x4f: {  	_ =	shalt  }
0x50: {  	_ =	shalt  }
0x51: {  	_ =	shalt  }
0x52: {  	_ =	shalt  }
0x53: {  	_ =	shalt  }
0x54: {  	_ =	shalt  }
0x55: {  	_ =	shalt  }
0x56: {  	_ =	shalt  }
0x57: {  	_ =	shalt  }
0x58: {  	_ =	shalt  }
0x59: {  	_ =	shalt  }
0x5a: {  	_ =	shalt  }
0x5b: {  	_ =	shalt  }
0x5c: {  	_ =	shalt  }
0x5d: {  	_ =	shalt  }
0x5e: {  	_ =	shalt  }
0x5f: {  	_ =	shalt  }
0x60: {  	_ =	shalt  }
0x61: {  	_ =	shalt  }
0x62: {  	_ =	shalt  }
0x63: {  	_ =	shalt  }
0x64: {  	_ =	shalt  }
0x65: {  	_ =	shalt  }
0x66: {  	_ =	shalt  }
0x67: {  	_ =	shalt  }
0x68: {  	_ =	shalt  }
0x69: {  	_ =	shalt  }
0x6a: {  	_ =	shalt  }
0x6b: {  	_ =	shalt  }
0x6c: {  	_ =	shalt  }
0x6d: {  	_ =	shalt  }
0x6e: {  	_ =	shalt  }
0x6f: {  	_ =	shalt  }
0x70: {  	_ =	shalt  }
0x71: {  	_ =	shalt  }
0x72: {  	_ =	shalt  }
0x73: {  	_ =	shalt  }
0x74: {  	_ =	shalt  }
0x75: {  	_ =	shalt  }
0x76: {  	_ =	shalt  }
0x77: {  	_ =	shalt  }
0x78: {  	_ =	shalt  }
0x79: {  	_ =	shalt  }
0x7a: {  	_ =	shalt  }
0x7b: {  	_ =	shalt  }
0x7c: {  	_ =	shalt  }
0x7d: {  	_ =	shalt  }
0x7e: {  	_ =	shalt  }
0x7f: {  	_ =	shalt  }
0x80: {  	_ =	shalt  }
0x81: {  	_ =	shalt  }
0x82: {  	_ =	shalt  }
0x83: {  	_ =	shalt  }
0x84: {  	_ =	shalt  }
0x85: {  	_ =	shalt  }
0x86: {  	_ =	shalt  }
0x87: {  	_ =	shalt  }
.Lfunc_end0:
.L_simem_size_0:
called_computation_lowered:
.L_overlay_start_0:
0x88: {  	s2 =	sld [smem:$0x3FD9]  }
0x89: {  	s3 =	sld [smem:$0x3FFE];
	_ =	sdelay $0x1  }
0x8a: {  	s1 =	srdreg.scid  }
0x8b: {  	s0 =	sand.u32 $0x1, s1  }
0x8c: {  	s14 =	sshll.u32 s0, $0xA;
	s2 =	sadd.s32 s3, s2  }
0x8d: {  	s2 =	sadd.s32 s2, s14  }
0x8e: {  	[smem:$0x3FC5] =	sst s2  }
0x8f: {  	_ = 	snop  }
0x90: {  	s2 =	sld [smem:$0x3FD0];
	_ =	sdelay $0x2  }
0x91: {  	s15 =	simm.s32 $0xA;
	s4 =	simm.s32 $0x10  }
0x92: {  	[smem:s4], [sflag:s15] =	dma.local [hbm:s2], $0x1  }
0x93: {  	_ =	swait.eq [sflag:s15], $0x1  }
0x94: {  	[sflag:s15] =	ssyncset.done $0x0  }
0x95: {  	s16 =	sld [smem:$0x10];
	[sflag:s15] =	ssyncadd.s32 $0xFFFFFFFF  }
0x96: {  	s17 =	sld [smem:$0x11];
	(tm) =	ssettm $0x1  }
0x97: {  	s18 =	sld [smem:$0x3FFB];
	_ =	sdelay $0x3  }
0x98: {  	_ =	strace s18  }
0x99: {  	s4 =	sld [smem:$0x3FFC];
	_ =	sdelay $0x3  }
0x9a: {  	_ =	strace s4  }
0x9b: {  	s4 =	sld [smem:$0x3FFD];
	_ =	sdelay $0x3  }
0x9c: {  	_ =	strace s4  }
0x9d: {  	_ =	strace $0x8FFFFFFF  }
0x9e: {  	s19 =	sld [smem:$0x3FDB];
	_ =	sdelay $0x1  }
0x9f: {  	s5 =	simm.s32 $_scs_section_size  }
0xa0: {  	s6 =	simm.s32 $_size__tile_overlayer_lowered;
	s7 =	simm.s32 $_tile_overlayer_lowered  }
0xa1: {  	s22 =	simm.s32 $0x1BFF;
	s21 =	sshll.u32 s7, $0x1;
	s4 =	sadd.s32 s5, s19  }
0xa2: {  	s8 =	simm.s32 $0x0;
	s20 =	sshll.u32 s6, $0x1;
	s6 =	sadd.s32 s21, s4  }
0xa3: {  	[timem:s8], [sflag:s22] =	dma.local [hbm:s6], s20  }
0xa4: {  	_ =	swait.ge [sflag:s22], s20  }
0xa5: {  	s5 =	ssub.s32 $0x0, s20;
	[sflag:s22] =	ssyncset.done $0x0  }
0xa6: {  	[sflag:s22] =	ssyncadd.s32 s5;
	_ =	sdelay $0x1  }
0xa7: {  	s23 =	simm.s32 $0x1B8B  }
0xa8: {  	_ =	swait.ge [sflag:s23], $0x1  }
0xa9: {  	[sflag:s23] =	ssyncset.done $0x0  }
0xaa: {  	s25 =	simm.s32 $0x1B8E;
	s24 =	sld [smem:$0x3FFE];
	[sflag:s23] =	ssyncadd.s32 $0xFFFFFFFF  }
0xab: {  	s26 =	simm.s32 $execute0_lowered;
	[smem:$0x3FD2] =	sst s25  }
0xac: {  	s6 =	sshll.u32 s26, $0x1;
	_ =	strace $0x80000046;
	[dreg:$0x1] =	wrdreg $0xFFFFFFFF  }
0xad: {  	s28 =	simm.s32 $_size_execute0_lowered;
	s4 =	sadd.s32 s4, s6;
	[dreg:$0x0] =	wrdreg $0x0  }
0xae: {  	s6 =	sshll.u32 s28, $0x1;
	[dreg:$0x2] =	wrdreg s4  }
0xaf: {  	[dreg:$0x3] =	wrdreg s6  }
0xb0: {  	[dreg:$0x4] =	wrdreg $0xC0  }
0xb1: {  	_ =	task [dreg:s8], $0x5FFFF  }
0xb2: {  	[dreg:$0x1] =	wrdreg $0xFFFFFFFF  }
0xb3: {  	[dreg:$0x0] =	wrdreg $0x60  }
0xb4: {  	[dreg:$0x2] =	wrdreg s24  }
0xb5: {  	[dreg:$0x3] =	wrdreg s16  }
0xb6: {  	[dreg:$0x4] =	wrdreg s17  }
0xb7: {  	[dreg:$0x5] =	wrdreg $0x9  }
0xb8: {  	_ =	task.clear_ibuf [dreg:s8], $0x6FFFF;
	_ =	strace $0x90000046  }
0xb9: {  	s29 =	simm.s32 $0x9;
	_ =	strace $0x80000048  }
0xba: {  	_ =	swait.ge [sflag:s29], $0x1  }
0xbb: {  	[sflag:s29] =	ssyncadd.s32 $0xFFFFFFFF  }
0xbc: {  	_ =	strace $0x90000048  }
0xbd: {  	_ =	sfence  }
0xbe: {  	s30 =	sld [smem:$0x0];
	_ =	sdelay $0x2  }
0xbf: {  	s31 =	sshll.u32 s1, $0xD;
	s1 =	sshrl.u32 s1, $0x2  }
0xc0: {  	s3 =	sand.u32 $0x4000, s31;
	s1 =	sadd.s32 s1, s30  }
0xc1: {  	s0 =	sor.u32 s3, s0;
	s1 =	sshll.u32 s1, $0x11  }
0xc2: {  	s0 =	sor.u32 s1, s0  }
0xc3: {  	s0 =	sadd.s32 $0x8F2B, s0  }
0xc4: {  	[sflag:s0] =	ssyncadd.remote.s32 $0x1  }
0xc5: {  	_ =	sfence.sel $0xFFFF  }
0xc6: {  	[dreg:$0x0] =	wrdreg $0xFFFFFFFF;
	(pc) =	sbr.abs _section_cstart, $3  }
0xc7: {  	[dreg:$0x1] =	wrdreg $0xFFFFFFFF  }
0xc8: {  	_ =	task.clear_ibuf [dreg:s8], $0x2FFFF;
	_ =	strace $0x9FFFFFFF  }
0xc9: {  	(tm) =	ssettm $0x7FFFFFFF  }
tec
execute0_lowered:
.L_overlay_start_1:
0x0: {  	(tag) =	ssettag $0x1  }
0x1: {  	s3 =	rddreg [dreg:$0x0]  }
0x2: {  	s5 =	rddreg [dreg:$0x1]  }
0x3: {  	s1 =	srdreg.scid;
	s0 =	stileid.u32  }
0x4: {  	s6 =	rddreg [dreg:$0x2];
	s2 =	simm.s32 $0x0;
	s10 =	simm.s32 $0x1400  }
0x5: {  	s11 =	simm.s32 $0x1800;
	s4 =	sand.u32 $0x1, s1;
	s1 =	rddreg [dreg:$0x3]  }
0x6: {  	s12 =	simm.s32 $0x0;
	s7 =	sshll.u32 s0, $0x1;
	[smem:$0x7FF] =	sst s2  }
0x7: {  	s7 =	sor.u32 s4, s7;
	s4 =	ssub.s32 $0x2, s4;
	_ =	strace $0x80000047  }
0x8: {  	s8 =	sshll.u32 s7, $0x9;
	s9 =	sshrl.u32 s4, $0x1;
	s7 =	sshll.u32 s7, $0x7  }
0x9: {  	s8 =	sadd.s32 s8, s3;
	s3 =	sadd.s32 $0x4E00, s3;
	s9 =	ssub.s32 s4, s9  }
0xa: {  	s5 =	sadd.s32 s5, s7;
	s6 =	sadd.s32 s6, s7;
	s4 =	sadd.s32 $0xE00, s8  }
0xb: {  	v0 =	vimm.s32 $0x8;
	s7 =	smax.u32 s9, $0x1;
	s8 =	simm.s32 $0x1;
	s9 =	simm.s32 $0x1000  }
.LBB2_1:
0xc: {  	[tilespmem:s2], [sflag:$0x1] =	stream.linear.gather [hbm4b:s4+s2], $0x1000, $0x38;
	[tilespmem:$0x1C00] =	vst v63  }
0xd: {  	_ =	swait.ge [sflag:s8], $0x1000  }
0xe: {  	[sflag:s8] =	ssyncset.done $0x0  }
0xf: {  	[sflag:s8] =	ssyncadd.s32 $0xFFFFF000  }
0x10: {  	[tilespmem:s9], [sflag:$0x1] =	stream.linear.gather [hbm4b:s3+s2], $0x400, $0x38;
	[tilespmem:$0x1C00] =	vst v63  }
0x11: {  	_ =	swait.ge [sflag:s8], $0x400  }
0x12: {  	[sflag:s8] =	ssyncset.done $0x0  }
0x13: {  	[sflag:s8] =	ssyncadd.s32 $0xFFFFFC00  }
0x14: {  	v1 =	vld [tilespmem:$0x1000]  }
0x15: {  	v2 =	vld [tilespmem:$0x1080]  }
0x16: {  	v3 =	vld [tilespmem:$0x1100]  }
0x17: {  	v4 =	vld [tilespmem:$0x1180]  }
0x18: {  	v5 =	vld [tilespmem:$0x1200]  }
0x19: {  	s13 =	simm.s32 $0x0;
	v6 =	vld [tilespmem:$0x1280]  }
0x1a: {  	s14 =	sand.u32 $0xC00, s2;
	s15 =	sand.u32 $0x40, s13;
	v7 =	vld [tilespmem:$0x1300]  }
0x1b: {  	p0 =	por $0x0, $0x0;
	s16 =	simm.s32 $0x1;
	s17 =	sor.u32 s15, s14;
	v8 =	vld [tilespmem:$0x1380]  }
0x1c: {  	s16 =	simm.s32 @!p0 $0x0;
	v9 =	vld [tilespmem:s17+$0x0]  }
0x1d: {  	s16 =	sshll.u32 s16, $0x6;
	v10 =	vld [tilespmem:s17+$0x80]  }
0x1e: {  	s16 =	sadd.s32 $0x0, s16;
	v11 =	vld [tilespmem:s17+$0x100]  }
0x1f: {  	s18 =	sor.u32 $0x200, s16;
	v12 =	vld [tilespmem:s17+$0x180]  }
0x20: {  	s19 =	sor.u32 $0x280, s16;
	v13 =	vld [tilespmem:s18+$0x0]  }
0x21: {  	s13 =	sor.u32 s13, s2;
	s18 =	sor.u32 $0x300, s16;
	v14 =	vld [tilespmem:s19+$0x0]  }
0x22: {  	s13 =	sor.u32 $0x380, s13;
	v15 =	vld [tilespmem:s18+$0x0];
	v16 =	vadd.f32 v9, v1;
	v17 =	vadd.f32 v10, v2  }
0x23: {  	v18 =	vld [tilespmem:s13+$0x0];
	v19 =	vadd.f32 v11, v3  }
0x24: {  	v20 =	vadd.f32 v12, v4;
	v21 =	vmax.f32 v16, v17  }
0x25: {  	v22 =	vadd.f32 v13, v5;
	v21 =	vmax.f32 v21, v19  }
0x26: {  	v23 =	vadd.f32 v14, v6;
	v21 =	vmax.f32 v21, v20  }
0x27: {  	v24 =	vadd.f32 v15, v7;
	v21 =	vmax.f32 v21, v22  }
0x28: {  	v25 =	vadd.f32 v18, v8;
	v21 =	vmax.f32 v21, v23  }
0x29: {  	v21 =	vmax.f32 v21, v24  }
0x2a: {  	v21 =	vmax.f32 v21, v25  }
0x2b: {  	vm7 =	veq.f32 v25, v21  }
0x2c: {  	vm6 =	veq.f32 v24, v21;
	v26 =	vsel vm7, $0x7, v0  }
0x2d: {  	vm5 =	veq.f32 v23, v21;
	v26 =	vsel vm6, $0x6, v26  }
0x2e: {  	vm4 =	veq.f32 v22, v21;
	v26 =	vsel vm5, $0x5, v26  }
0x2f: {  	vm3 =	veq.f32 v20, v21;
	v26 =	vsel vm4, $0x4, v26  }
0x30: {  	vm2 =	veq.f32 v19, v21;
	v26 =	vsel vm3, $0x3, v26  }
0x31: {  	vm1 =	veq.f32 v17, v21;
	v26 =	vsel vm2, $0x2, v26  }
0x32: {  	vm0 =	vne.f32 v16, v21;
	v45 =	vsel vm1, $0x1, v26  }
0x33: {  	vm8 =	vmand vm0, vm1;
	v21 =	vnsel vm0, $0x0, v45  }
0x34: {  	v16 =	vnsel vm0, $0xFF800000, v16;
	v17 =	vsel vm8, $0xFF800000, v17;
	vm13 =	veq.s32 v21, $0x2  }
0x35: {  	v46 =	vmax.f32 v16, v17;
	vm14 =	veq.s32 v21, $0x3;
	v19 =	vsel vm13, $0xFF800000, v19  }
0x36: {  	vm15 =	veq.s32 v21, $0x4;
	v20 =	vsel vm14, $0xFF800000, v20;
	v26 =	vmax.f32 v46, v19  }
0x37: {  	vm12 =	veq.s32 v21, $0x5;
	v22 =	vsel vm15, $0xFF800000, v22;
	v26 =	vmax.f32 v26, v20  }
0x38: {  	v23 =	vsel vm12, $0xFF800000, v23;
	vm13 =	veq.s32 v21, $0x6;
	v26 =	vmax.f32 v26, v22  }
0x39: {  	vm14 =	veq.s32 v21, $0x7;
	v24 =	vsel vm13, $0xFF800000, v24;
	v26 =	vmax.f32 v26, v23  }
0x3a: {  	v25 =	vsel vm14, $0xFF800000, v25;
	v26 =	vmax.f32 v26, v24  }
0x3b: {  	v26 =	vmax.f32 v26, v25  }
0x3c: {  	vm8 =	veq.f32 v25, v26  }
0x3d: {  	v47 =	vnsel vm7, $0x0, v18;
	vm15 =	veq.f32 v24, v26;
	v18 =	vnsel vm8, $0x0, v18  }
0x3e: {  	v48 =	vsel vm6, v15, v47;
	vm9 =	veq.f32 v23, v26;
	v15 =	vsel vm15, v15, v18  }
0x3f: {  	v49 =	vsel vm5, v14, v48;
	vm10 =	veq.f32 v22, v26;
	v14 =	vsel vm9, v14, v15  }
0x40: {  	vm11 =	veq.f32 v20, v26;
	v15 =	vsel vm4, v13, v49;
	v13 =	vsel vm10, v13, v14  }
0x41: {  	vm12 =	veq.f32 v19, v26;
	v14 =	vsel vm3, v12, v15;
	v12 =	vsel vm11, v12, v13  }
0x42: {  	vm13 =	veq.f32 v17, v26;
	v13 =	vsel vm2, v11, v14;
	v11 =	vsel vm12, v11, v12  }
0x43: {  	vm14 =	veq.f32 v16, v26;
	v12 =	vsel vm1, v10, v13;
	v10 =	vsel vm13, v10, v11  }
0x44: {  	v11 =	vsel vm0, v12, v9;
	v9 =	vsel vm14, v9, v10  }
0x45: {  	v10 =	vadd.f32 v9, v11;
	_ =	sdelay $0x1  }
0x46: {  	(erf) = vrcp.f32 v10;
	_ =	sdelay $0x6  }
0x47: {  	v10 =	vsel vm8, $0x7, v0  }
0x48: {  	v10 =	vsel vm15, $0x6, v10  }
0x49: {  	v10 =	vsel vm9, $0x5, v10;
	v12 =	vpop (erf)  }
0x4a: {  	s13 =	sand.u32 $0x300, s2;
	v10 =	vsel vm10, $0x4, v10;
	v11 =	vmul.f32 v12, v11  }
0x4b: {  	s15 =	sor.u32 s15, s13;
	v10 =	vsel vm11, $0x3, v10;
	v9 =	vmul.f32 v12, v9  }
0x4c: {  	s20 =	sor.u32 $0x80, s16;
	v10 =	vsel vm12, $0x2, v10;
	[tilespmem:s15+$0x1400] =	vst v11  }
0x4d: {  	s21 =	simm.s32 $0x10;
	v10 =	vsel vm13, $0x1, v10;
	[tilespmem:s20+$0x1400] =	vst v9  }
0x4e: {  	s22 =	sand.u32 $0x50, s21;
	v9 =	vsel vm14, $0x0, v10;
	[tilespmem:s15+$0x1800] =	vst v21  }
0x4f: {  	s23 =	simm.s32 $0x0;
	s19 =	sor.u32 s22, s14;
	[tilespmem:s20+$0x1800] =	vst v9  }
0x50: {  	s15 =	sand.u32 $0x70, s23;
	v9 =	vld [tilespmem:s19+$0x0]  }
0x51: {  	s24 =	sadd.s32 $0x10, s15;
	v10 =	vld [tilespmem:s19+$0x80]  }
0x52: {  	v11 =	vld [tilespmem:s19+$0x100];
	s17 =	sadd.s32 $0x0, s24  }
0x53: {  	v12 =	vld [tilespmem:s19+$0x180];
	s25 =	sor.u32 $0x200, s17  }
0x54: {  	s26 =	sor.u32 $0x280, s17;
	v13 =	vld [tilespmem:s25+$0x0]  }
0x55: {  	s18 =	sor.u32 s21, s2;
	s28 =	sor.u32 $0x300, s17;
	v14 =	vld [tilespmem:s26+$0x0]  }
0x56: {  	s18 =	sor.u32 $0x380, s18;
	v50 =	vld [tilespmem:s28+$0x0];
	v15 =	vadd.f32 v9, v1;
	v51 =	vadd.f32 v10, v2  }
0x57: {  	v52 =	vld [tilespmem:s18+$0x0];
	v53 =	vadd.f32 v11, v3  }
0x58: {  	v54 =	vadd.f32 v12, v4;
	v55 =	vmax.f32 v15, v51  }
0x59: {  	v56 =	vadd.f32 v13, v5;
	v21 =	vmax.f32 v55, v53  }
0x5a: {  	v57 =	vadd.f32 v14, v6;
	v21 =	vmax.f32 v21, v54  }
0x5b: {  	v58 =	vadd.f32 v50, v7;
	v21 =	vmax.f32 v21, v56  }
0x5c: {  	v59 =	vadd.f32 v52, v8;
	v21 =	vmax.f32 v21, v57  }
0x5d: {  	v21 =	vmax.f32 v21, v58  }
0x5e: {  	v21 =	vmax.f32 v21, v59  }
0x5f: {  	vm7 =	veq.f32 v59, v21  }
0x60: {  	vm6 =	veq.f32 v58, v21;
	v60 =	vsel vm7, $0x7, v0  }
0x61: {  	vm5 =	veq.f32 v57, v21;
	v26 =	vsel vm6, $0x6, v60  }
0x62: {  	vm4 =	veq.f32 v56, v21;
	v26 =	vsel vm5, $0x5, v26  }
0x63: {  	vm3 =	veq.f32 v54, v21;
	v26 =	vsel vm4, $0x4, v26  }
0x64: {  	vm2 =	veq.f32 v53, v21;
	v26 =	vsel vm3, $0x3, v26  }
0x65: {  	vm1 =	veq.f32 v51, v21;
	v26 =	vsel vm2, $0x2, v26  }
0x66: {  	vm0 =	vne.f32 v15, v21;
	v61 =	vsel vm1, $0x1, v26  }
0x67: {  	vm15 =	vmand vm0, vm1;
	v21 =	vnsel vm0, $0x0, v61  }
0x68: {  	v15 =	vnsel vm0, $0xFF800000, v15;
	v17 =	vsel vm15, $0xFF800000, v51;
	vm12 =	veq.s32 v21, $0x2  }
0x69: {  	v62 =	vmax.f32 v15, v17;
	vm13 =	veq.s32 v21, $0x3;
	v19 =	vsel vm12, $0xFF800000, v53  }
0x6a: {  	vm14 =	veq.s32 v21, $0x4;
	v20 =	vsel vm13, $0xFF800000, v54;
	v26 =	vmax.f32 v62, v19  }
0x6b: {  	vm15 =	veq.s32 v21, $0x5;
	v22 =	vsel vm14, $0xFF800000, v56;
	v26 =	vmax.f32 v26, v20  }
0x6c: {  	v23 =	vsel vm15, $0xFF800000, v57;
	vm12 =	veq.s32 v21, $0x6;
	v26 =	vmax.f32 v26, v22  }
0x6d: {  	vm13 =	veq.s32 v21, $0x7;
	v24 =	vsel vm12, $0xFF800000, v58;
	v26 =	vmax.f32 v26, v23  }
0x6e: {  	v25 =	vsel vm13, $0xFF800000, v59;
	v26 =	vmax.f32 v26, v24  }
0x6f: {  	v26 =	vmax.f32 v26, v25  }
0x70: {  	vm8 =	veq.f32 v25, v26  }
0x71: {  	v63 =	vnsel vm7, $0x0, v52;
	vm14 =	veq.f32 v24, v26;
	v18 =	vnsel vm8, $0x0, v52  }
0x72: {  	v28 =	vsel vm6, v50, v63;
	vm15 =	veq.f32 v23, v26;
	v16 =	vsel vm14, v50, v18  }
0x73: {  	v29 =	vsel vm5, v14, v28;
	vm9 =	veq.f32 v22, v26;
	v14 =	vsel vm15, v14, v16  }
0x74: {  	v30 =	vsel vm4, v13, v29;
	vm10 =	veq.f32 v20, v26;
	v13 =	vsel vm9, v13, v14  }
0x75: {  	vm11 =	veq.f32 v19, v26;
	v14 =	vsel vm3, v12, v30;
	v12 =	vsel vm10, v12, v13  }
0x76: {  	vm12 =	veq.f32 v17, v26;
	v13 =	vsel vm2, v11, v14;
	v11 =	vsel vm11, v11, v12  }
0x77: {  	vm13 =	veq.f32 v15, v26;
	v12 =	vsel vm1, v10, v13;
	v10 =	vsel vm12, v10, v11  }
0x78: {  	v11 =	vsel vm0, v12, v9;
	v9 =	vsel vm13, v9, v10  }
0x79: {  	v10 =	vadd.f32 v9, v11;
	_ =	sdelay $0x1  }
0x7a: {  	(erf) = vrcp.f32 v10;
	_ =	sdelay $0x6  }
0x7b: {  	v10 =	vsel vm8, $0x7, v0  }
0x7c: {  	v10 =	vsel vm14, $0x6, v10  }
0x7d: {  	v10 =	vsel vm15, $0x5, v10;
	v12 =	vpop (erf)  }
0x7e: {  	v10 =	vsel vm9, $0x4, v10;
	v11 =	vmul.f32 v12, v11  }
0x7f: {  	s16 =	sor.u32 s13, s22;
	v10 =	vsel vm10, $0x3, v10;
	v9 =	vmul.f32 v12, v9  }
0x80: {  	s17 =	sor.u32 $0x80, s17;
	v10 =	vsel vm11, $0x2, v10;
	[tilespmem:s16+$0x1400] =	vst v11  }
0x81: {  	s29 =	simm.s32 $0x20;
	v10 =	vsel vm12, $0x1, v10;
	[tilespmem:s17+$0x1400] =	vst v9  }
0x82: {  	s30 =	sand.u32 $0x60, s29;
	v9 =	vsel vm13, $0x0, v10;
	[tilespmem:s16+$0x1800] =	vst v21  }
0x83: {  	s31 =	sand.u32 $0x3, s2;
	s20 =	sor.u32 s30, s14;
	[tilespmem:s17+$0x1800] =	vst v9  }
0x84: {  	s21 =	sshll.u32 s31, $0x5;
	v9 =	vld [tilespmem:s20+$0x0]  }
0x85: {  	s17 =	sadd.s32 $0x20, s21;
	v10 =	vld [tilespmem:s20+$0x80]  }
0x86: {  	v11 =	vld [tilespmem:s20+$0x100];
	s17 =	sadd.s32 $0x0, s17  }
0x87: {  	v12 =	vld [tilespmem:s20+$0x180];
	s22 =	sor.u32 $0x200, s17  }
0x88: {  	s23 =	sor.u32 $0x280, s17;
	v13 =	vld [tilespmem:s22+$0x0]  }
0x89: {  	s18 =	sor.u32 s29, s2;
	s24 =	sor.u32 $0x300, s17;
	v14 =	vld [tilespmem:s23+$0x0]  }
0x8a: {  	s18 =	sor.u32 $0x380, s18;
	v31 =	vld [tilespmem:s24+$0x0];
	v15 =	vadd.f32 v9, v1;
	v32 =	vadd.f32 v10, v2  }
0x8b: {  	v33 =	vld [tilespmem:s18+$0x0];
	v34 =	vadd.f32 v11, v3  }
0x8c: {  	v35 =	vadd.f32 v12, v4;
	v36 =	vmax.f32 v15, v32  }
0x8d: {  	v37 =	vadd.f32 v13, v5;
	v21 =	vmax.f32 v36, v34  }
0x8e: {  	v38 =	vadd.f32 v14, v6;
	v21 =	vmax.f32 v21, v35  }
0x8f: {  	v39 =	vadd.f32 v31, v7;
	v21 =	vmax.f32 v21, v37  }
0x90: {  	v40 =	vadd.f32 v33, v8;
	v21 =	vmax.f32 v21, v38  }
0x91: {  	v21 =	vmax.f32 v21, v39  }
0x92: {  	v21 =	vmax.f32 v21, v40  }
0x93: {  	vm7 =	veq.f32 v40, v21  }
0x94: {  	vm6 =	veq.f32 v39, v21;
	v41 =	vsel vm7, $0x7, v0  }
0x95: {  	vm5 =	veq.f32 v38, v21;
	v26 =	vsel vm6, $0x6, v41  }
0x96: {  	vm4 =	veq.f32 v37, v21;
	v26 =	vsel vm5, $0x5, v26  }
0x97: {  	vm3 =	veq.f32 v35, v21;
	v26 =	vsel vm4, $0x4, v26  }
0x98: {  	vm2 =	veq.f32 v34, v21;
	v26 =	vsel vm3, $0x3, v26  }
0x99: {  	vm1 =	veq.f32 v32, v21;
	v26 =	vsel vm2, $0x2, v26  }
0x9a: {  	vm0 =	vne.f32 v15, v21;
	v42 =	vsel vm1, $0x1, v26  }
0x9b: {  	vm14 =	vmand vm0, vm1;
	v21 =	vnsel vm0, $0x0, v42  }
0x9c: {  	v15 =	vnsel vm0, $0xFF800000, v15;
	v17 =	vsel vm14, $0xFF800000, v32;
	vm15 =	veq.s32 v21, $0x2  }
0x9d: {  	v43 =	vmax.f32 v15, v17;
	vm12 =	veq.s32 v21, $0x3;
	v19 =	vsel vm15, $0xFF800000, v34  }
0x9e: {  	vm13 =	veq.s32 v21, $0x4;
	v20 =	vsel vm12, $0xFF800000, v35;
	v26 =	vmax.f32 v43, v19  }
0x9f: {  	vm14 =	veq.s32 v21, $0x5;
	v22 =	vsel vm13, $0xFF800000, v37;
	v26 =	vmax.f32 v26, v20  }
0xa0: {  	v23 =	vsel vm14, $0xFF800000, v38;
	vm15 =	veq.s32 v21, $0x6;
	v26 =	vmax.f32 v26, v22  }
0xa1: {  	vm12 =	veq.s32 v21, $0x7;
	v24 =	vsel vm15, $0xFF800000, v39;
	v26 =	vmax.f32 v26, v23  }
0xa2: {  	v25 =	vsel vm12, $0xFF800000, v40;
	v26 =	vmax.f32 v26, v24  }
0xa3: {  	v26 =	vmax.f32 v26, v25  }
0xa4: {  	vm8 =	veq.f32 v25, v26  }
0xa5: {  	v44 =	vnsel vm7, $0x0, v33;
	vm13 =	veq.f32 v24, v26;
	v18 =	vnsel vm8, $0x0, v33  }
0xa6: {  	v45 =	vsel vm6, v31, v44;
	vm14 =	veq.f32 v23, v26;
	v16 =	vsel vm13, v31, v18  }
0xa7: {  	v46 =	vsel vm5, v14, v45;
	vm15 =	veq.f32 v22, v26;
	v14 =	vsel vm14, v14, v16  }
0xa8: {  	v47 =	vsel vm4, v13, v46;
	vm9 =	veq.f32 v20, v26;
	v13 =	vsel vm15, v13, v14  }
0xa9: {  	vm10 =	veq.f32 v19, v26;
	v14 =	vsel vm3, v12, v47;
	v12 =	vsel vm9, v12, v13  }
0xaa: {  	vm11 =	veq.f32 v17, v26;
	v13 =	vsel vm2, v11, v14;
	v11 =	vsel vm10, v11, v12  }
0xab: {  	vm12 =	veq.f32 v15, v26;
	v12 =	vsel vm1, v10, v13;
	v10 =	vsel vm11, v10, v11  }
0xac: {  	v11 =	vsel vm0, v12, v9;
	v9 =	vsel vm12, v9, v10  }
0xad: {  	v10 =	vadd.f32 v9, v11;
	_ =	sdelay $0x1  }
0xae: {  	(erf) = vrcp.f32 v10;
	_ =	sdelay $0x6  }
0xaf: {  	v10 =	vsel vm8, $0x7, v0  }
0xb0: {  	v10 =	vsel vm13, $0x6, v10  }
0xb1: {  	v10 =	vsel vm14, $0x5, v10;
	v12 =	vpop (erf)  }
0xb2: {  	v10 =	vsel vm15, $0x4, v10;
	v11 =	vmul.f32 v12, v11  }
0xb3: {  	s16 =	sor.u32 s13, s30;
	v10 =	vsel vm9, $0x3, v10;
	v9 =	vmul.f32 v12, v9  }
0xb4: {  	s17 =	sor.u32 $0x80, s17;
	v10 =	vsel vm10, $0x2, v10;
	[tilespmem:s16+$0x1400] =	vst v11  }
0xb5: {  	s25 =	simm.s32 $0x30;
	v10 =	vsel vm11, $0x1, v10;
	[tilespmem:s17+$0x1400] =	vst v9  }
0xb6: {  	s23 =	sand.u32 $0x70, s25;
	v9 =	vsel vm12, $0x0, v10;
	[tilespmem:s16+$0x1800] =	vst v21  }
0xb7: {  	s14 =	sor.u32 s23, s14;
	[tilespmem:s17+$0x1800] =	vst v9  }
0xb8: {  	v10 =	vld [tilespmem:s14+$0x0]  }
0xb9: {  	s15 =	sadd.s32 $0x30, s15;
	v11 =	vld [tilespmem:s14+$0x80]  }
0xba: {  	s20 =	sadd.s32 $0x0, s15;
	v12 =	vld [tilespmem:s14+$0x100]  }
0xbb: {  	s26 =	sor.u32 $0x200, s20;
	v13 =	vld [tilespmem:s14+$0x180]  }
0xbc: {  	s28 =	sor.u32 $0x280, s20;
	v14 =	vld [tilespmem:s26+$0x0]  }
0xbd: {  	s30 =	sor.u32 s25, s2;
	s29 =	sor.u32 $0x300, s20;
	v15 =	vld [tilespmem:s28+$0x0]  }
0xbe: {  	s31 =	sor.u32 $0x380, s30;
	v48 =	vld [tilespmem:s29+$0x0];
	v49 =	vadd.f32 v10, v1;
	v50 =	vadd.f32 v11, v2  }
0xbf: {  	v51 =	vld [tilespmem:s31+$0x0];
	v52 =	vadd.f32 v12, v3  }
0xc0: {  	v53 =	vadd.f32 v13, v4;
	v9 =	vmax.f32 v49, v50  }
0xc1: {  	v54 =	vadd.f32 v14, v5;
	v9 =	vmax.f32 v9, v52  }
0xc2: {  	v55 =	vadd.f32 v15, v6;
	v9 =	vmax.f32 v9, v53  }
0xc3: {  	v56 =	vadd.f32 v48, v7;
	v9 =	vmax.f32 v9, v54  }
0xc4: {  	v57 =	vadd.f32 v51, v8;
	v9 =	vmax.f32 v9, v55  }
0xc5: {  	v9 =	vmax.f32 v9, v56  }
0xc6: {  	v9 =	vmax.f32 v9, v57  }
0xc7: {  	vm7 =	veq.f32 v57, v9  }
0xc8: {  	vm6 =	veq.f32 v56, v9;
	v58 =	vsel vm7, $0x7, v0  }
0xc9: {  	vm5 =	veq.f32 v55, v9;
	v26 =	vsel vm6, $0x6, v58  }
0xca: {  	vm4 =	veq.f32 v54, v9;
	v26 =	vsel vm5, $0x5, v26  }
0xcb: {  	vm3 =	veq.f32 v53, v9;
	v26 =	vsel vm4, $0x4, v26  }
0xcc: {  	vm2 =	veq.f32 v52, v9;
	v26 =	vsel vm3, $0x3, v26  }
0xcd: {  	vm1 =	veq.f32 v50, v9;
	v26 =	vsel vm2, $0x2, v26  }
0xce: {  	vm0 =	vne.f32 v49, v9;
	v9 =	vsel vm1, $0x1, v26  }
0xcf: {  	vm13 =	vmand vm0, vm1;
	v9 =	vnsel vm0, $0x0, v9  }
0xd0: {  	v17 =	vnsel vm0, $0xFF800000, v49;
	v18 =	vsel vm13, $0xFF800000, v50;
	vm14 =	veq.s32 v9, $0x2  }
0xd1: {  	v59 =	vmax.f32 v17, v18;
	vm15 =	veq.s32 v9, $0x3;
	v20 =	vsel vm14, $0xFF800000, v52  }
0xd2: {  	vm12 =	veq.s32 v9, $0x4;
	v21 =	vsel vm15, $0xFF800000, v53;
	v26 =	vmax.f32 v59, v20  }
0xd3: {  	vm13 =	veq.s32 v9, $0x5;
	v22 =	vsel vm12, $0xFF800000, v54;
	v26 =	vmax.f32 v26, v21  }
0xd4: {  	v23 =	vsel vm13, $0xFF800000, v55;
	vm14 =	veq.s32 v9, $0x6;
	v26 =	vmax.f32 v26, v22  }
0xd5: {  	vm15 =	veq.s32 v9, $0x7;
	v24 =	vsel vm14, $0xFF800000, v56;
	v26 =	vmax.f32 v26, v23  }
0xd6: {  	v25 =	vsel vm15, $0xFF800000, v57;
	v26 =	vmax.f32 v26, v24  }
0xd7: {  	v26 =	vmax.f32 v26, v25  }
0xd8: {  	vm8 =	veq.f32 v25, v26  }
0xd9: {  	v60 =	vnsel vm7, $0x0, v51;
	vm9 =	veq.f32 v24, v26;
	v19 =	vnsel vm8, $0x0, v51  }
0xda: {  	v61 =	vsel vm6, v48, v60;
	vm10 =	veq.f32 v23, v26;
	v16 =	vsel vm9, v48, v19  }
0xdb: {  	v62 =	vsel vm5, v15, v61;
	vm11 =	veq.f32 v22, v26;
	v15 =	vsel vm10, v15, v16  }
0xdc: {  	v63 =	vsel vm4, v14, v62;
	vm12 =	veq.f32 v21, v26;
	v14 =	vsel vm11, v14, v15  }
0xdd: {  	vm13 =	veq.f32 v20, v26;
	v15 =	vsel vm3, v13, v63;
	v13 =	vsel vm12, v13, v14  }
0xde: {  	vm14 =	veq.f32 v18, v26;
	v14 =	vsel vm2, v12, v15;
	v12 =	vsel vm13, v12, v13  }
0xdf: {  	vm15 =	veq.f32 v17, v26;
	v13 =	vsel vm1, v11, v14;
	v11 =	vsel vm14, v11, v12  }
0xe0: {  	v12 =	vsel vm0, v13, v10;
	v11 =	vsel vm15, v10, v11  }
0xe1: {  	v10 =	vadd.f32 v11, v12;
	_ =	sdelay $0x1  }
0xe2: {  	(erf) = vrcp.f32 v10;
	_ =	sdelay $0x1  }
0xe3: {  	v10 =	vsel vm8, $0x7, v0  }
0xe4: {  	v10 =	vsel vm9, $0x6, v10  }
0xe5: {  	v10 =	vsel vm10, $0x5, v10  }
0xe6: {  	v10 =	vsel vm11, $0x4, v10  }
0xe7: {  	v10 =	vsel vm12, $0x3, v10  }
0xe8: {  	p0 =	por !p0, !p0;
	v10 =	vsel vm13, $0x2, v10  }
0xe9: {  	s19 =	simm.s32 $0x0;
	s15 =	simm.s32 $0x80;
	s18 =	simm.s32 $0x0;
	v10 =	vsel vm14, $0x1, v10  }
0xea: {  	s16 =	simm.s32 $0x2;
	s17 =	simm.s32 $0x70;
	s14 =	simm.s32 $0x0;
	v10 =	vsel vm15, $0x0, v10;
	v13 =	vpop (erf)  }
.LBB2_2:
0xeb: {  	s14 =	sadd.s32 $0x4, s14;
	v12 =	vmul.f32 v13, v12;
	s18 =	sadd.s32 $0x200, s18;
	s19 =	sadd.s32 $0x4, s19  }
0xec: {  	s13 =	sor.u32 s13, s23;
	v11 =	vmul.f32 v13, v11;
	p1 =	slt.u32 s14, $0x1C  }
0xed: {  	s22 =	sor.u32 $0x80, s20;
	[tilespmem:s13+$0x1400] =	vst v12  }
0xee: {  	s23 =	sadd.s32 $0xFFFFFFD0, s17;
	[tilespmem:s22+$0x1400] =	vst v11  }
0xef: {  	s20 =	sand.u32 $0x40, s23;
	s21 =	sand.u32 $0xC00, s18;
	s23 =	sor.u32 s23, s18;
	[tilespmem:s13+$0x1800] =	vst v9  }
0xf0: {  	s23 =	sor.u32 $0x380, s23;
	s13 =	sor.u32 s20, s21;
	[tilespmem:s22+$0x1800] =	vst v10;
	s22 =	simm.s32 $0x1  }
0xf1: {  	s22 =	simm.s32 @!p0 $0x0;
	v10 =	vld [tilespmem:s13+$0x100]  }
0xf2: {  	s22 =	sshll.u32 s22, $0x6;
	v9 =	vld [tilespmem:s13+$0x0]  }
0xf3: {  	v11 =	vld [tilespmem:s13+$0x80];
	s24 =	sadd.s32 s22, s18;
	s22 =	sadd.s32 s22, s15  }
0xf4: {  	v12 =	vld [tilespmem:s13+$0x180];
	s13 =	sor.u32 $0x200, s24;
	s25 =	sor.u32 $0x300, s24  }
0xf5: {  	v13 =	vld [tilespmem:s13+$0x0]  }
0xf6: {  	s13 =	sor.u32 $0x280, s24  }
0xf7: {  	v14 =	vld [tilespmem:s13+$0x0]  }
0xf8: {  	v16 =	vadd.f32 v9, v1;
	v15 =	vld [tilespmem:s25+$0x0];
	v17 =	vadd.f32 v11, v2  }
0xf9: {  	v19 =	vadd.f32 v10, v3;
	v18 =	vld [tilespmem:s23+$0x0]  }
0xfa: {  	v20 =	vadd.f32 v12, v4;
	v21 =	vmax.f32 v16, v17  }
0xfb: {  	v22 =	vadd.f32 v13, v5;
	v21 =	vmax.f32 v21, v19  }
0xfc: {  	v23 =	vadd.f32 v14, v6;
	v21 =	vmax.f32 v21, v20  }
0xfd: {  	v24 =	vadd.f32 v15, v7;
	v21 =	vmax.f32 v21, v22  }
0xfe: {  	v25 =	vadd.f32 v18, v8;
	v21 =	vmax.f32 v21, v23  }
0xff: {  	v21 =	vmax.f32 v21, v24  }
0x100: {  	v21 =	vmax.f32 v21, v25  }
0x101: {  	vm0 =	vne.f32 v16, v21;
	vm4 =	veq.f32 v22, v21;
	vm5 =	veq.f32 v25, v21  }
0x102: {  	vm2 =	veq.f32 v19, v21;
	vm6 =	veq.f32 v24, v21;
	v26 =	vsel vm5, $0x7, v0  }
0x103: {  	vm1 =	veq.f32 v17, v21;
	vm7 =	veq.f32 v23, v21;
	v26 =	vsel vm6, $0x6, v26  }
0x104: {  	vm3 =	veq.f32 v20, v21;
	vm8 =	vmand vm0, vm1;
	v21 =	vsel vm7, $0x5, v26  }
0x105: {  	v16 =	vnsel vm0, $0xFF800000, v16;
	v17 =	vsel vm8, $0xFF800000, v17;
	v21 =	vsel vm4, $0x4, v21  }
0x106: {  	v26 =	vnsel vm5, $0x0, v18;
	v21 =	vsel vm3, $0x3, v21  }
0x107: {  	v26 =	vsel vm6, v15, v26;
	v21 =	vsel vm2, $0x2, v21  }
0x108: {  	v26 =	vsel vm7, v14, v26;
	v21 =	vsel vm1, $0x1, v21  }
0x109: {  	v27 =	vmax.f32 v16, v17;
	v26 =	vsel vm4, v13, v26;
	v21 =	vnsel vm0, $0x0, v21  }
0x10a: {  	vm4 =	veq.s32 v21, $0x2;
	vm5 =	veq.s32 v21, $0x4;
	vm6 =	veq.s32 v21, $0x5  }
0x10b: {  	v19 =	vsel vm4, $0xFF800000, v19;
	vm4 =	veq.s32 v21, $0x3;
	v22 =	vsel vm5, $0xFF800000, v22  }
0x10c: {  	v20 =	vsel vm4, $0xFF800000, v20;
	vm4 =	veq.s32 v21, $0x6;
	v27 =	vmax.f32 v27, v19  }
0x10d: {  	v26 =	vsel vm3, v12, v26;
	vm3 =	veq.s32 v21, $0x7;
	v27 =	vmax.f32 v27, v20  }
0x10e: {  	v26 =	vsel vm2, v10, v26;
	v23 =	vsel vm6, $0xFF800000, v23;
	v27 =	vmax.f32 v27, v22  }
0x10f: {  	v26 =	vsel vm1, v11, v26;
	v24 =	vsel vm4, $0xFF800000, v24;
	v27 =	vmax.f32 v27, v23  }
0x110: {  	v26 =	vsel vm0, v26, v9;
	v25 =	vsel vm3, $0xFF800000, v25;
	v27 =	vmax.f32 v27, v24  }
0x111: {  	v27 =	vmax.f32 v27, v25  }
0x112: {  	vm0 =	veq.f32 v20, v27;
	vm1 =	veq.f32 v22, v27;
	vm2 =	veq.f32 v25, v27  }
0x113: {  	vm3 =	veq.f32 v19, v27;
	vm4 =	veq.f32 v24, v27;
	v18 =	vnsel vm2, $0x0, v18  }
0x114: {  	vm5 =	veq.f32 v16, v27;
	vm6 =	veq.f32 v23, v27;
	v15 =	vsel vm4, v15, v18  }
0x115: {  	v16 =	vsel vm2, $0x7, v0;
	v14 =	vsel vm6, v14, v15  }
0x116: {  	v15 =	vsel vm4, $0x6, v16;
	v13 =	vsel vm1, v13, v14  }
0x117: {  	v14 =	vsel vm6, $0x5, v15;
	v12 =	vsel vm0, v12, v13  }
0x118: {  	vm2 =	veq.f32 v17, v27;
	v13 =	vsel vm1, $0x4, v14;
	v10 =	vsel vm3, v10, v12  }
0x119: {  	v12 =	vsel vm0, $0x3, v13;
	v10 =	vsel vm2, v11, v10  }
0x11a: {  	v11 =	vsel vm3, $0x2, v12;
	v9 =	vsel vm5, v9, v10  }
0x11b: {  	v10 =	vsel vm2, $0x1, v11;
	v11 =	vadd.f32 v9, v26  }
0x11c: {  	v10 =	vsel vm5, $0x0, v10  }
0x11d: {  	(erf) = vrcp.f32 v11;
	_ =	sdelay $0x8  }
0x11e: {  	v11 =	vpop (erf)  }
0x11f: {  	s13 =	sand.u32 $0x300, s15;
	v12 =	vmul.f32 v11, v26;
	v9 =	vmul.f32 v11, v9  }
0x120: {  	s20 =	sor.u32 s20, s13  }
0x121: {  	s22 =	sor.u32 $0x80, s22;
	[tilespmem:s20+$0x1400] =	vst v12  }
0x122: {  	s25 =	sadd.s32 $0xFFFFFFE0, s17;
	[tilespmem:s22+$0x1400] =	vst v9  }
0x123: {  	s23 =	sand.u32 $0x50, s25;
	[tilespmem:s20+$0x1800] =	vst v21  }
0x124: {  	s26 =	sor.u32 s23, s21;
	s20 =	sshll.u32 s19, $0x4;
	[tilespmem:s22+$0x1800] =	vst v10  }
0x125: {  	s20 =	sand.u32 $0x70, s20;
	v9 =	vld [tilespmem:s26+$0x0]  }
0x126: {  	s28 =	sadd.s32 $0x30, s20;
	s20 =	sadd.s32 $0x10, s20;
	v10 =	vld [tilespmem:s26+$0x80]  }
0x127: {  	s29 =	sadd.s32 s20, s18;
	s24 =	sadd.s32 s20, s15;
	s22 =	sadd.s32 s28, s18;
	v11 =	vld [tilespmem:s26+$0x100]  }
0x128: {  	s20 =	sadd.s32 s28, s15;
	v12 =	vld [tilespmem:s26+$0x180];
	s26 =	sor.u32 $0x200, s29  }
0x129: {  	v13 =	vld [tilespmem:s26+$0x0];
	s26 =	sor.u32 $0x280, s29  }
0x12a: {  	s25 =	sor.u32 s25, s18;
	v14 =	vld [tilespmem:s26+$0x0];
	s26 =	sor.u32 $0x300, s29;
	v15 =	vadd.f32 v9, v1  }
0x12b: {  	s25 =	sor.u32 $0x380, s25;
	v16 =	vld [tilespmem:s26+$0x0];
	v17 =	vadd.f32 v10, v2  }
0x12c: {  	v18 =	vld [tilespmem:s25+$0x0];
	v19 =	vadd.f32 v11, v3  }
0x12d: {  	v20 =	vadd.f32 v12, v4;
	v21 =	vmax.f32 v15, v17  }
0x12e: {  	v22 =	vadd.f32 v13, v5;
	v21 =	vmax.f32 v21, v19  }
0x12f: {  	v23 =	vadd.f32 v14, v6;
	v21 =	vmax.f32 v21, v20  }
0x130: {  	v24 =	vadd.f32 v16, v7;
	v21 =	vmax.f32 v21, v22  }
0x131: {  	v25 =	vadd.f32 v18, v8;
	v21 =	vmax.f32 v21, v23  }
0x132: {  	v21 =	vmax.f32 v21, v24  }
0x133: {  	v21 =	vmax.f32 v21, v25  }
0x134: {  	vm0 =	vne.f32 v15, v21;
	vm2 =	veq.f32 v20, v21;
	vm4 =	veq.f32 v25, v21  }
0x135: {  	vm1 =	veq.f32 v17, v21;
	vm5 =	veq.f32 v24, v21;
	v26 =	vsel vm4, $0x7, v0  }
0x136: {  	vm6 =	veq.f32 v23, v21;
	vm3 =	vmand vm0, vm1;
	v26 =	vsel vm5, $0x6, v26  }
0x137: {  	vm7 =	veq.f32 v22, v21;
	v17 =	vsel vm3, $0xFF800000, v17;
	v26 =	vsel vm6, $0x5, v26  }
0x138: {  	v15 =	vnsel vm0, $0xFF800000, v15;
	vm3 =	veq.f32 v19, v21;
	v21 =	vsel vm7, $0x4, v26  }
0x139: {  	v26 =	vnsel vm4, $0x0, v18;
	v21 =	vsel vm2, $0x3, v21  }
0x13a: {  	v26 =	vsel vm5, v16, v26;
	v21 =	vsel vm3, $0x2, v21  }
0x13b: {  	v26 =	vsel vm6, v14, v26;
	v21 =	vsel vm1, $0x1, v21  }
0x13c: {  	v27 =	vmax.f32 v15, v17;
	v26 =	vsel vm7, v13, v26;
	v21 =	vnsel vm0, $0x0, v21  }
0x13d: {  	vm4 =	veq.s32 v21, $0x2;
	vm5 =	veq.s32 v21, $0x4;
	vm6 =	veq.s32 v21, $0x5  }
0x13e: {  	vm7 =	veq.s32 v21, $0x6;
	v19 =	vsel vm4, $0xFF800000, v19;
	vm4 =	veq.s32 v21, $0x3  }
0x13f: {  	v20 =	vsel vm4, $0xFF800000, v20;
	vm4 =	veq.s32 v21, $0x7;
	v27 =	vmax.f32 v27, v19  }
0x140: {  	v26 =	vsel vm2, v12, v26;
	v22 =	vsel vm5, $0xFF800000, v22;
	v27 =	vmax.f32 v27, v20  }
0x141: {  	v26 =	vsel vm3, v11, v26;
	v23 =	vsel vm6, $0xFF800000, v23;
	v27 =	vmax.f32 v27, v22  }
0x142: {  	v26 =	vsel vm1, v10, v26;
	v24 =	vsel vm7, $0xFF800000, v24;
	v27 =	vmax.f32 v27, v23  }
0x143: {  	v26 =	vsel vm0, v26, v9;
	v25 =	vsel vm4, $0xFF800000, v25;
	v27 =	vmax.f32 v27, v24  }
0x144: {  	v27 =	vmax.f32 v27, v25  }
0x145: {  	vm0 =	veq.f32 v20, v27;
	vm1 =	veq.f32 v22, v27;
	vm2 =	veq.f32 v25, v27  }
0x146: {  	vm3 =	veq.f32 v19, v27;
	vm4 =	veq.f32 v24, v27;
	v18 =	vnsel vm2, $0x0, v18  }
0x147: {  	vm5 =	veq.f32 v15, v27;
	vm6 =	veq.f32 v23, v27;
	v15 =	vsel vm4, v16, v18  }
0x148: {  	v16 =	vsel vm2, $0x7, v0;
	v14 =	vsel vm6, v14, v15  }
0x149: {  	v15 =	vsel vm4, $0x6, v16;
	v13 =	vsel vm1, v13, v14  }
0x14a: {  	v14 =	vsel vm6, $0x5, v15;
	v12 =	vsel vm0, v12, v13  }
0x14b: {  	vm2 =	veq.f32 v17, v27;
	v13 =	vsel vm1, $0x4, v14;
	v11 =	vsel vm3, v11, v12  }
0x14c: {  	v12 =	vsel vm0, $0x3, v13;
	v10 =	vsel vm2, v10, v11  }
0x14d: {  	v11 =	vsel vm3, $0x2, v12;
	v9 =	vsel vm5, v9, v10  }
0x14e: {  	v10 =	vsel vm2, $0x1, v11;
	v11 =	vadd.f32 v9, v26  }
0x14f: {  	v10 =	vsel vm5, $0x0, v10  }
0x150: {  	(erf) = vrcp.f32 v11;
	_ =	sdelay $0x8  }
0x151: {  	v11 =	vpop (erf)  }
0x152: {  	v12 =	vmul.f32 v11, v26;
	v9 =	vmul.f32 v11, v9  }
0x153: {  	s23 =	sor.u32 s13, s23  }
0x154: {  	s24 =	sor.u32 $0x80, s24;
	[tilespmem:s23+$0x1400] =	vst v12  }
0x155: {  	s25 =	sadd.s32 $0xFFFFFFF0, s17;
	[tilespmem:s24+$0x1400] =	vst v9  }
0x156: {  	[tilespmem:s23+$0x1800] =	vst v21;
	s23 =	sand.u32 $0x60, s25  }
0x157: {  	s26 =	sand.u32 $0x3, s16;
	[tilespmem:s24+$0x1800] =	vst v10;
	s28 =	sor.u32 s23, s21  }
0x158: {  	s24 =	sshll.u32 s26, $0x5;
	v9 =	vld [tilespmem:s28+$0x0]  }
0x159: {  	s24 =	sadd.s32 $0x20, s24;
	v10 =	vld [tilespmem:s28+$0x80]  }
0x15a: {  	s26 =	sadd.s32 s24, s18;
	s24 =	sadd.s32 s24, s15;
	v11 =	vld [tilespmem:s28+$0x100]  }
0x15b: {  	v12 =	vld [tilespmem:s28+$0x180];
	s28 =	sor.u32 $0x200, s26  }
0x15c: {  	v13 =	vld [tilespmem:s28+$0x0];
	s28 =	sor.u32 $0x280, s26  }
0x15d: {  	s25 =	sor.u32 s25, s18;
	s26 =	sor.u32 $0x300, s26;
	v14 =	vld [tilespmem:s28+$0x0];
	v15 =	vadd.f32 v9, v1  }
0x15e: {  	s25 =	sor.u32 $0x380, s25;
	v16 =	vld [tilespmem:s26+$0x0];
	v17 =	vadd.f32 v10, v2  }
0x15f: {  	v18 =	vld [tilespmem:s25+$0x0];
	v19 =	vadd.f32 v11, v3  }
0x160: {  	v20 =	vadd.f32 v12, v4;
	v21 =	vmax.f32 v15, v17  }
0x161: {  	v22 =	vadd.f32 v13, v5;
	v21 =	vmax.f32 v21, v19  }
0x162: {  	v23 =	vadd.f32 v14, v6;
	v21 =	vmax.f32 v21, v20  }
0x163: {  	v24 =	vadd.f32 v16, v7;
	v21 =	vmax.f32 v21, v22  }
0x164: {  	v25 =	vadd.f32 v18, v8;
	v21 =	vmax.f32 v21, v23  }
0x165: {  	v21 =	vmax.f32 v21, v24  }
0x166: {  	v21 =	vmax.f32 v21, v25  }
0x167: {  	vm0 =	vne.f32 v15, v21;
	vm2 =	veq.f32 v20, v21;
	vm4 =	veq.f32 v25, v21  }
0x168: {  	vm1 =	veq.f32 v17, v21;
	vm5 =	veq.f32 v24, v21;
	v26 =	vsel vm4, $0x7, v0  }
0x169: {  	vm6 =	veq.f32 v23, v21;
	vm3 =	vmand vm0, vm1;
	v26 =	vsel vm5, $0x6, v26  }
0x16a: {  	vm7 =	veq.f32 v22, v21;
	v17 =	vsel vm3, $0xFF800000, v17;
	v26 =	vsel vm6, $0x5, v26  }
0x16b: {  	v15 =	vnsel vm0, $0xFF800000, v15;
	vm3 =	veq.f32 v19, v21;
	v21 =	vsel vm7, $0x4, v26  }
0x16c: {  	v26 =	vnsel vm4, $0x0, v18;
	v21 =	vsel vm2, $0x3, v21  }
0x16d: {  	v26 =	vsel vm5, v16, v26;
	v21 =	vsel vm3, $0x2, v21  }
0x16e: {  	v26 =	vsel vm6, v14, v26;
	v21 =	vsel vm1, $0x1, v21  }
0x16f: {  	v27 =	vmax.f32 v15, v17;
	v26 =	vsel vm7, v13, v26;
	v21 =	vnsel vm0, $0x0, v21  }
0x170: {  	vm4 =	veq.s32 v21, $0x2;
	vm5 =	veq.s32 v21, $0x3;
	vm6 =	veq.s32 v21, $0x4  }
0x171: {  	vm7 =	veq.s32 v21, $0x6;
	v19 =	vsel vm4, $0xFF800000, v19;
	vm4 =	veq.s32 v21, $0x5  }
0x172: {  	v20 =	vsel vm5, $0xFF800000, v20;
	vm5 =	veq.s32 v21, $0x7;
	v27 =	vmax.f32 v27, v19  }
0x173: {  	v26 =	vsel vm2, v12, v26;
	v22 =	vsel vm6, $0xFF800000, v22;
	v27 =	vmax.f32 v27, v20  }
0x174: {  	v26 =	vsel vm3, v11, v26;
	v23 =	vsel vm4, $0xFF800000, v23;
	v27 =	vmax.f32 v27, v22  }
0x175: {  	v26 =	vsel vm1, v10, v26;
	v24 =	vsel vm7, $0xFF800000, v24;
	v27 =	vmax.f32 v27, v23  }
0x176: {  	v26 =	vsel vm0, v26, v9;
	v25 =	vsel vm5, $0xFF800000, v25;
	v27 =	vmax.f32 v27, v24  }
0x177: {  	v27 =	vmax.f32 v27, v25  }
0x178: {  	vm0 =	veq.f32 v20, v27;
	vm1 =	veq.f32 v22, v27;
	vm2 =	veq.f32 v25, v27  }
0x179: {  	vm3 =	veq.f32 v19, v27;
	vm4 =	veq.f32 v24, v27;
	v18 =	vnsel vm2, $0x0, v18  }
0x17a: {  	vm5 =	veq.f32 v15, v27;
	vm6 =	veq.f32 v23, v27;
	v15 =	vsel vm4, v16, v18  }
0x17b: {  	v16 =	vsel vm2, $0x7, v0;
	v14 =	vsel vm6, v14, v15  }
0x17c: {  	v15 =	vsel vm4, $0x6, v16;
	v13 =	vsel vm1, v13, v14  }
0x17d: {  	v14 =	vsel vm6, $0x5, v15;
	v12 =	vsel vm0, v12, v13  }
0x17e: {  	vm2 =	veq.f32 v17, v27;
	v13 =	vsel vm1, $0x4, v14;
	v11 =	vsel vm3, v11, v12  }
0x17f: {  	v12 =	vsel vm0, $0x3, v13;
	v10 =	vsel vm2, v10, v11  }
0x180: {  	v11 =	vsel vm3, $0x2, v12;
	v9 =	vsel vm5, v9, v10  }
0x181: {  	v10 =	vsel vm2, $0x1, v11;
	v11 =	vadd.f32 v9, v26  }
0x182: {  	v10 =	vsel vm5, $0x0, v10  }
0x183: {  	(erf) = vrcp.f32 v11;
	_ =	sdelay $0x8  }
0x184: {  	v11 =	vpop (erf)  }
0x185: {  	v12 =	vmul.f32 v11, v26;
	v9 =	vmul.f32 v11, v9  }
0x186: {  	s23 =	sor.u32 s13, s23  }
0x187: {  	s24 =	sor.u32 $0x80, s24;
	[tilespmem:s23+$0x1400] =	vst v12  }
0x188: {  	[tilespmem:s24+$0x1400] =	vst v9  }
0x189: {  	[tilespmem:s23+$0x1800] =	vst v21;
	s23 =	sand.u32 $0x70, s17  }
0x18a: {  	[tilespmem:s24+$0x1800] =	vst v10;
	s21 =	sor.u32 s23, s21  }
0x18b: {  	v10 =	vld [tilespmem:s21+$0x0]  }
0x18c: {  	v11 =	vld [tilespmem:s21+$0x80]  }
0x18d: {  	v13 =	vld [tilespmem:s21+$0x100]  }
0x18e: {  	v14 =	vld [tilespmem:s21+$0x180];
	s21 =	sor.u32 $0x200, s22  }
0x18f: {  	v15 =	vld [tilespmem:s21+$0x0];
	s21 =	sor.u32 $0x280, s22  }
0x190: {  	v16 =	vld [tilespmem:s21+$0x0];
	s21 =	sor.u32 $0x300, s22;
	s22 =	sor.u32 s17, s18  }
0x191: {  	v12 =	vadd.f32 v10, v1;
	v17 =	vld [tilespmem:s21+$0x0];
	s21 =	sor.u32 $0x380, s22;
	v9 =	vadd.f32 v11, v2  }
0x192: {  	v18 =	vld [tilespmem:s21+$0x0];
	v19 =	vadd.f32 v13, v3  }
0x193: {  	v20 =	vadd.f32 v14, v4;
	v21 =	vmax.f32 v12, v9  }
0x194: {  	v22 =	vadd.f32 v15, v5;
	v21 =	vmax.f32 v21, v19  }
0x195: {  	v23 =	vadd.f32 v16, v6;
	v21 =	vmax.f32 v21, v20  }
0x196: {  	v24 =	vadd.f32 v17, v7;
	v21 =	vmax.f32 v21, v22  }
0x197: {  	v25 =	vadd.f32 v18, v8;
	v21 =	vmax.f32 v21, v23  }
0x198: {  	v21 =	vmax.f32 v21, v24  }
0x199: {  	v21 =	vmax.f32 v21, v25  }
0x19a: {  	vm0 =	vne.f32 v12, v21;
	vm2 =	veq.f32 v20, v21;
	vm3 =	veq.f32 v25, v21  }
0x19b: {  	vm1 =	veq.f32 v9, v21;
	vm4 =	veq.f32 v24, v21;
	v26 =	vsel vm3, $0x7, v0  }
0x19c: {  	vm5 =	veq.f32 v23, v21;
	vm6 =	vmand vm0, vm1;
	v26 =	vsel vm4, $0x6, v26  }
0x19d: {  	vm7 =	veq.f32 v22, v21;
	v27 =	vsel vm6, $0xFF800000, v9;
	v26 =	vsel vm5, $0x5, v26  }
0x19e: {  	vm6 =	veq.f32 v19, v21;
	v9 =	vnsel vm3, $0x0, v18;
	v21 =	vsel vm7, $0x4, v26  }
0x19f: {  	v9 =	vsel vm4, v17, v9;
	v21 =	vsel vm2, $0x3, v21  }
0x1a0: {  	v9 =	vsel vm5, v16, v9;
	v21 =	vsel vm6, $0x2, v21  }
0x1a1: {  	v9 =	vsel vm7, v15, v9;
	v21 =	vsel vm1, $0x1, v21  }
0x1a2: {  	v26 =	vsel vm2, v14, v9;
	v9 =	vnsel vm0, $0x0, v21;
	v21 =	vnsel vm0, $0xFF800000, v12  }
0x1a3: {  	vm2 =	veq.s32 v9, $0x2;
	vm3 =	veq.s32 v9, $0x3;
	vm4 =	veq.s32 v9, $0x5  }
0x1a4: {  	v12 =	vmax.f32 v21, v27;
	v19 =	vsel vm2, $0xFF800000, v19;
	vm2 =	veq.s32 v9, $0x7  }
0x1a5: {  	v20 =	vsel vm3, $0xFF800000, v20;
	vm3 =	veq.s32 v9, $0x4;
	v12 =	vmax.f32 v12, v19  }
0x1a6: {  	v26 =	vsel vm6, v13, v26;
	v22 =	vsel vm3, $0xFF800000, v22;
	v12 =	vmax.f32 v12, v20  }
0x1a7: {  	v23 =	vsel vm4, $0xFF800000, v23;
	vm3 =	veq.s32 v9, $0x6;
	v12 =	vmax.f32 v12, v22  }
0x1a8: {  	v26 =	vsel vm1, v11, v26;
	v24 =	vsel vm3, $0xFF800000, v24;
	v28 =	vmax.f32 v12, v23  }
0x1a9: {  	v25 =	vsel vm2, $0xFF800000, v25;
	v12 =	vsel vm0, v26, v10;
	v26 =	vmax.f32 v28, v24  }
0x1aa: {  	v26 =	vmax.f32 v26, v25  }
0x1ab: {  	vm0 =	veq.f32 v20, v26;
	vm1 =	veq.f32 v22, v26;
	vm2 =	veq.f32 v25, v26  }
0x1ac: {  	vm3 =	veq.f32 v19, v26;
	vm4 =	veq.f32 v24, v26;
	v18 =	vnsel vm2, $0x0, v18  }
0x1ad: {  	vm5 =	veq.f32 v23, v26;
	v19 =	vsel vm2, $0x7, v0;
	v17 =	vsel vm4, v17, v18  }
0x1ae: {  	v18 =	vsel vm4, $0x6, v19;
	v16 =	vsel vm5, v16, v17  }
0x1af: {  	v17 =	vsel vm5, $0x5, v18;
	v15 =	vsel vm1, v15, v16  }
0x1b0: {  	v16 =	vsel vm1, $0x4, v17;
	v14 =	vsel vm0, v14, v15  }
0x1b1: {  	vm1 =	veq.f32 v27, v26;
	v15 =	vsel vm0, $0x3, v16;
	v13 =	vsel vm3, v13, v14  }
0x1b2: {  	vm0 =	veq.f32 v21, v26;
	v14 =	vsel vm3, $0x2, v15;
	v11 =	vsel vm1, v11, v13  }
0x1b3: {  	v13 =	vsel vm1, $0x1, v14;
	v11 =	vsel vm0, v10, v11  }
0x1b4: {  	v10 =	vsel vm0, $0x0, v13;
	v13 =	vadd.f32 v11, v12;
	_ =	sdelay $0x1  }
0x1b5: {  	(erf) = vrcp.f32 v13;
	_ =	sdelay $0x4  }
.Ltmp0:
0x1b6: {  	(pc) =	sbr.rel @p1 .LBB2_2-.Ltmp0, $3  }
0x1b7: {  	_ =	sdelay $0x1  }
0x1b8: {  	s15 =	sadd.s32 $0x80, s15  }
0x1b9: {  	p0 =	por !p0, !p0;
	s16 =	sadd.s32 $0x2, s16;
	s17 =	sadd.s32 $0x40, s17;
	v13 =	vpop (erf)  }
0x1ba: {  	v1 =	vmul.f32 v13, v12  }
0x1bb: {  	s13 =	sor.u32 s13, s23;
	v2 =	vmul.f32 v13, v11  }
0x1bc: {  	s14 =	sor.u32 $0x80, s20;
	[tilespmem:s13+$0x1400] =	vst v1  }
0x1bd: {  	[tilespmem:s14+$0x1400] =	vst v2  }
0x1be: {  	[tilespmem:s13+$0x1800] =	vst v9  }
0x1bf: {  	[tilespmem:s14+$0x1800] =	vst v10  }
0x1c0: {  	[hbm4b:s5+s2] =	stream.linear.scatter [tilespmem:s10], [sflag:$0x1], $0x400, $0x38;
	[tilespmem:$0x1C00] =	vst v63  }
0x1c1: {  	s12 =	sadd.s32 $0x1, s12;
	_ =	swait.ge [sflag:s8], $0x400  }
0x1c2: {  	p0 =	sne.s32 s12, s7;
	[sflag:s8] =	ssyncset.done $0x0  }
.Ltmp1:
0x1c3: {  	[sflag:s8] =	ssyncadd.s32 $0xFFFFFC00;
	(pc) =	sbr.rel @p0 .LBB2_1-.Ltmp1, $4  }
0x1c4: {  	[hbm4b:s6+s2] =	stream.linear.scatter [tilespmem:s11], [sflag:$0x1], $0x400, $0x38;
	[tilespmem:$0x1C00] =	vst v63  }
0x1c5: {  	_ =	swait.ge [sflag:s8], $0x400  }
0x1c6: {  	[sflag:s8] =	ssyncset.done $0x0  }
0x1c7: {  	[sflag:s8] =	ssyncadd.s32 $0xFFFFFC00  }
0x1c8: {  	_ =	sfence.sel $0x180000  }
0x1c9: {  	[bflag:$0x0] =	sbarrier.arrive $0xFFFF  }
0x1ca: {  	p0 =	sne.s32 s0, $0x0;
	_ =	strace $0x90000047  }
0x1cb: {  	s0 =	sadd.s32 @!p0 $0x100000, s1;
	[bflag:$0x2] =	sbarrier.arrive $0xFFFF  }
0x1cc: {  	[sflag:s0] =	ssyncadd.tile.s32 @!p0 $0x1;
	_ =	shalt  }
.Lfunc_end2:
_tile_overlayer_lowered:
.L_overlay_start_2:
0x1cd: {  	(tag) =	ssettag $0x2  }
0x1ce: {  	s0 =	rddreg [dreg:$0x0];
	s2 =	stileid.u32  }
0x1cf: {  	s1 =	rddreg [dreg:$0x1];
	p0 =	sne.s32 s2, $0x0  }
0x1d0: {  	s3 =	rddreg [dreg:$0x2];
	[bflag:$0x3] =	sbarrier.arrive $0xFFFF;
	s2 =	simm.s32 @!p0 $0x1C01  }
0x1d1: {  	[timem:s3], [sflag:s2] =	dma.local @!p0 [hbm:s0], s1  }
0x1d2: {  	s0 =	simm.s32 @!p0 $0x1  }
0x1d3: {  	_ =	swait.ge @!p0 [sflag:s0], s1  }
0x1d4: {  	s1 =	ssub.s32 @!p0 $0x0, s1;
	[sflag:s0] =	ssyncset.done @!p0 $0x0  }
0x1d5: {  	[sflag:s0] =	ssyncadd.s32 @!p0 s1  }
0x1d6: {  	[bflag:$0x3] =	sbarrier.arrive $0xFFFF  }
0x1d7: {  	_ =	shalt  }

</sc_bundles>
